<compile_context>
chip_gen: v7x
topology: tpu7x:2x2x1
jax: 0.10.2.dev20260603
libtpu: 0.0.44.dev20260713+nightly
codegen_flags: <defaults>
</compile_context>

<pallas_src>
import functools

import jax
import jax.numpy as jnp
from jax.experimental import pallas as pl
from jax.experimental.pallas import tpu as pltpu

CH = 2048
C0 = 2000
C1 = 20000
C2 = 100000
V0 = C1 - C0
V1 = C2 - C1
HEAD_N = C0 + 2
HEAD_P = 2048
D0 = 512
D1 = 128
T = 2048
BT = 512
BTT = 512
NBI = T // BTT
BC = 2048
NEG = -1e30
SENT = 1 << 30
LOG2E = 1.4426950408889634
LN2 = 0.6931471805599453


def _head_kernel(flat_ref, wh_ref, wp0_ref, wp1_ref, tgt_ref,
                 rootlp_ref, h0_ref, h1_ref):
    x = flat_ref[...]
    logits = jnp.dot(x, wh_ref[...], preferred_element_type=jnp.float32)
    col = jax.lax.broadcasted_iota(jnp.int32, logits.shape, 1)
    logits = jnp.where(col < HEAD_N, logits, NEG)
    t = tgt_ref[0, 0, :]
    root_target = jnp.where(t < C0, t,
                            jnp.where(t < C1, C0, C0 + 1)).astype(jnp.int32)
    tgt_logit = jnp.sum(jnp.where(col == root_target[:, None], logits, 0.0),
                        axis=1)
    m = jnp.max(logits, axis=1)
    lse = m + jnp.log(jnp.sum(jnp.exp(logits - m[:, None]), axis=1))
    rootlp_ref[0, 0, :] = tgt_logit - lse
    h0_ref[...] = jnp.dot(x, wp0_ref[...],
                          preferred_element_type=jnp.float32) * LOG2E
    h1_ref[...] = jnp.dot(x, wp1_ref[...],
                          preferred_element_type=jnp.float32) * LOG2E


def _tail0_kernel(b_ref, h_ref, w_ref, it_ref, lp_ref, s_ref, g_ref,
                  *, bc, v, nc):
    c = pl.program_id(0)
    i = pl.program_id(1)
    start, end = b_ref[0], b_ref[1]
    active = ((i + 1) * BTT > start) & (i * BTT < end)
    rs = pl.ds(i * BTT, BTT)

    @pl.when(c == 0)
    def _init():
        s_ref[rs, :] = jnp.zeros((BTT, 1), jnp.float32)
        g_ref[rs, :] = jnp.zeros((BTT, 1), jnp.float32)

    @pl.when(active)
    def _compute():
        lb = jnp.dot(h_ref[rs, :], w_ref[...],
                     preferred_element_type=jnp.float32)
        iot = jax.lax.broadcasted_iota(jnp.int32, lb.shape, 1)

        ex_active = ((b_ref[2 + i] < (c + 1) * bc)
                     & (b_ref[2 + NBI + i] >= c * bc))

        @pl.when(ex_active)
        def _extract():
            itr = it_ref[rs, :] - c * bc
            g_ref[rs, :] += jnp.sum(jnp.where(iot == itr, lb, 0.0),
                                    axis=1, keepdims=True)

        @pl.when(c < nc - 1)
        def _body():
            s_ref[rs, :] += jnp.sum(jnp.exp2(lb), axis=1, keepdims=True)

        @pl.when(c == nc - 1)
        def _last():
            eb = jnp.exp2(jnp.where(iot < v - c * bc, lb, NEG))
            s_ref[rs, :] += jnp.sum(eb, axis=1, keepdims=True)

    @pl.when(c == nc - 1)
    def _fin():
        lp_ref[rs, :] = g_ref[rs, :] * LN2 - jnp.log(s_ref[rs, :])


def _run_tail0(h, w, itg, binfo, bc):
    d, v = w.shape
    nc = -(-v // bc)
    grid_spec = pltpu.PrefetchScalarGridSpec(
        num_scalar_prefetch=1,
        grid=(nc, NBI),
        in_specs=[
            pl.BlockSpec((T, d), lambda c, i, b: (0, 0)),
            pl.BlockSpec((d, bc), lambda c, i, b: (0, c)),
            pl.BlockSpec((T, 1), lambda c, i, b: (0, 0)),
        ],
        out_specs=pl.BlockSpec((T, 1), lambda c, i, b: (0, 0)),
        scratch_shapes=[
            pltpu.VMEM((T, 1), jnp.float32),
            pltpu.VMEM((T, 1), jnp.float32),
        ],
    )
    return pl.pallas_call(
        functools.partial(_tail0_kernel, bc=bc, v=v, nc=nc),
        grid_spec=grid_spec,
        out_shape=jax.ShapeDtypeStruct((T, 1), jnp.float32),
        compiler_params=pltpu.CompilerParams(
            dimension_semantics=("arbitrary", "arbitrary")),
    )(binfo, h, w, itg)


def _tail1_kernel(h_ref, w_ref, it_ref, lp_ref, s_ref, g_ref, *, bc, v, nc):
    c = pl.program_id(0)

    @pl.when(c == 0)
    def _init():
        s_ref[...] = jnp.zeros_like(s_ref)
        g_ref[...] = jnp.zeros_like(g_ref)

    lb = jnp.dot(h_ref[...], w_ref[...], preferred_element_type=jnp.float32)
    iot = jax.lax.broadcasted_iota(jnp.int32, lb.shape, 1)
    itr = it_ref[...] - c * bc
    g_ref[...] += jnp.sum(jnp.where(iot == itr, lb, 0.0),
                          axis=1, keepdims=True)

    @pl.when(c < nc - 1)
    def _body():
        s_ref[...] += jnp.sum(jnp.exp2(lb), axis=1, keepdims=True)

    @pl.when(c == nc - 1)
    def _last():
        eb = jnp.exp2(jnp.where(iot < v - c * bc, lb, NEG))
        s = s_ref[...] + jnp.sum(eb, axis=1, keepdims=True)
        lp_ref[...] = g_ref[...] * LN2 - jnp.log(s)


def _run_tail1(h, w, it, bc):
    d, v = w.shape
    nc = -(-v // bc)
    return pl.pallas_call(
        functools.partial(_tail1_kernel, bc=bc, v=v, nc=nc),
        grid=(nc,),
        in_specs=[
            pl.BlockSpec((T, d), lambda c: (0, 0)),
            pl.BlockSpec((d, bc), lambda c: (0, c)),
            pl.BlockSpec((T, 1), lambda c: (0, 0)),
        ],
        out_specs=pl.BlockSpec((T, 1), lambda c: (0, 0)),
        out_shape=jax.ShapeDtypeStruct((T, 1), jnp.float32),
        scratch_shapes=[pltpu.VMEM((T, 1), jnp.float32),
                        pltpu.VMEM((T, 1), jnp.float32)],
        compiler_params=pltpu.CompilerParams(
            dimension_semantics=("arbitrary",)),
    )(h, w, it)


def kernel(logits, targets, W_head, W_proj0, W_scale0, W_proj1, W_scale1):
    flat = logits.reshape(-1, CH)
    t = targets.reshape(-1).astype(jnp.int32)

    nt = T // BT
    t_blk = t.reshape(nt, 1, BT)

    rootlp, h0, h1 = pl.pallas_call(
        _head_kernel,
        grid=(nt,),
        in_specs=[
            pl.BlockSpec((BT, CH), lambda i: (i, 0)),
            pl.BlockSpec((CH, HEAD_P), lambda i: (0, 0)),
            pl.BlockSpec((CH, D0), lambda i: (0, 0)),
            pl.BlockSpec((CH, D1), lambda i: (0, 0)),
            pl.BlockSpec((1, 1, BT), lambda i: (i, 0, 0)),
        ],
        out_specs=[
            pl.BlockSpec((1, 1, BT), lambda i: (i, 0, 0)),
            pl.BlockSpec((BT, D0), lambda i: (i, 0)),
            pl.BlockSpec((BT, D1), lambda i: (i, 0)),
        ],
        out_shape=[
            jax.ShapeDtypeStruct((nt, 1, BT), jnp.float32),
            jax.ShapeDtypeStruct((T, D0), jnp.float32),
            jax.ShapeDtypeStruct((T, D1), jnp.float32),
        ],
        compiler_params=pltpu.CompilerParams(
            dimension_semantics=("arbitrary",)),
    )(flat, W_head, W_proj0, W_proj1, t_blk)

    in_t0 = (t >= C0) & (t < C1)
    in_t1 = t >= C1
    rows = jnp.arange(T, dtype=jnp.int32)

    ckey = jnp.where(in_t0, 0, jnp.where(in_t1, 1, 2)).astype(jnp.int32)
    perm = jnp.argsort(ckey * (1 << 17) + t)
    n0 = jnp.sum(in_t0).astype(jnp.int32)
    tg = t[perm]
    val0 = rows < n0
    h0g = h0[perm]
    i0g = jnp.where(val0, jnp.clip(tg - C0, 0, V0 - 1), SENT).astype(jnp.int32)
    blk = i0g.reshape(NBI, BTT)
    binfo = jnp.concatenate([
        jnp.stack([jnp.int32(0), n0]), blk[:, 0], blk[:, -1]])
    lp0 = _run_tail0(h0g, W_scale0, i0g.reshape(T, 1), binfo, BC)

    i1 = jnp.clip(t - C1, 0, V1 - 1).astype(jnp.int32)
    lp1 = _run_tail1(h1, W_scale1, i1.reshape(T, 1), BC)

    token_sum = (jnp.sum(rootlp)
                 + jnp.sum(jnp.where(val0, lp0[:, 0], 0.0))
                 + jnp.sum(jnp.where(in_t1, lp1[:, 0], 0.0)))
    return -token_sum / T

# --- scband reference (transcript-rebuilt; emitter-appended) ---
"""Pipeline reference for scband-adaptive-softmax-33414845563311 (READ-ONLY COPY).

The authoritative reference and input builder live on the scoring server;
editing this copy changes nothing except your own understanding.
"""

import jax, jax.numpy as jnp
import numpy as np

UNITS = 100000
CUT = [2000, 20000, 100000]  # _cutoff with final units appended
CH = 2048
D0 = 512   # max(1, round(2048/4**1 / 8))*8
D1 = 128   # max(1, round(2048/4**2 / 8))*8
N_TAILS = 2


def _glorot(key, shape):
    lim = float(np.sqrt(6.0 / (shape[0] + shape[1])))
    return jax.random.uniform(key, shape, minval=-lim, maxval=lim, dtype=jnp.float32)


def setup_inputs(seed: int = 0) -> dict:
    key = jax.random.key(seed)
    ks = jax.random.split(key, 8)
    logits = jax.random.normal(ks[0], (1, 2048, CH), dtype=jnp.float32)
    targets = jax.random.randint(ks[1], (1, 2048), 0, UNITS, dtype=jnp.int32)
    W_head = _glorot(ks[2], (CH, CUT[0] + N_TAILS))
    W_proj0 = _glorot(ks[3], (CH, D0))
    W_scale0 = _glorot(ks[4], (D0, CUT[1] - CUT[0]))
    W_proj1 = _glorot(ks[5], (CH, D1))
    W_scale1 = _glorot(ks[6], (D1, CUT[2] - CUT[1]))
    return {
        'logits': logits,
        'targets': targets,
        'W_head': W_head,
        'W_proj0': W_proj0,
        'W_scale0': W_scale0,
        'W_proj1': W_proj1,
        'W_scale1': W_scale1,
    }


def _adaptive_loss(flat, t, W_head, W_proj0, W_scale0, W_proj1, W_scale1):
    # Root (head) cluster: classes [0, CUT[0]) plus one pseudo-class per tail cluster.
    root_logits = (flat @ W_head).astype(jnp.float32)
    root_lse = jax.scipy.special.logsumexp(root_logits, axis=-1)
    in_t0 = (t >= CUT[0]) & (t < CUT[1])
    in_t1 = t >= CUT[1]
    root_target = jnp.where(t < CUT[0], t,
                            jnp.where(in_t0, CUT[0], CUT[0] + 1)).astype(jnp.int32)
    root_tgt_logit = jnp.take_along_axis(root_logits, root_target[:, None], axis=1)[:, 0]
    root_lp = root_tgt_logit - root_lse
    # Tail 0: two-level low-rank projection (proj -> scale), log-softmax over its classes.
    l0 = ((flat @ W_proj0) @ W_scale0).astype(jnp.float32)
    lse0 = jax.scipy.special.logsumexp(l0, axis=-1)
    i0 = jnp.clip(t - CUT[0], 0, CUT[1] - CUT[0] - 1).astype(jnp.int32)
    lp0 = jnp.take_along_axis(l0, i0[:, None], axis=1)[:, 0] - lse0
    # Tail 1
    l1 = ((flat @ W_proj1) @ W_scale1).astype(jnp.float32)
    lse1 = jax.scipy.special.logsumexp(l1, axis=-1)
    i1 = jnp.clip(t - CUT[1], 0, CUT[2] - CUT[1] - 1).astype(jnp.int32)
    lp1 = jnp.take_along_axis(l1, i1[:, None], axis=1)[:, 0] - lse1
    token_lp = root_lp + jnp.where(in_t0, lp0, 0.0) + jnp.where(in_t1, lp1, 0.0)
    # loss_reduction='sum_over_batch_size' -> mean over flattened tokens
    return jnp.mean(-token_lp)


def reference(logits, targets, W_head, W_proj0, W_scale0, W_proj1, W_scale1):
    flat = logits.reshape(-1, CH).astype(jnp.float32)
    t = targets.reshape(-1)
    loss = _adaptive_loss(flat, t, W_head, W_proj0, W_scale0, W_proj1, W_scale1)
    return loss

if __name__ == "__main__":
    import jax
    _d = setup_inputs()
    print(jax.jit(kernel)(*tuple(_d.values())))

</pallas_src>

<mosaic_0001>
module attributes {stable_mosaic.version = 14 : i64} {
  func.func @_head_kernel(%arg0: i32, %arg1: memref<512x2048xf32, #tpu.memory_space<vmem>>, %arg2: memref<2048x2048xf32, #tpu.memory_space<vmem>>, %arg3: memref<2048x512xf32, #tpu.memory_space<vmem>>, %arg4: memref<2048x128xf32, #tpu.memory_space<vmem>>, %arg5: memref<1x1x512xi32, #tpu.memory_space<vmem>>, %arg6: memref<1x1x512xf32, #tpu.memory_space<vmem>>, %arg7: memref<512x512xf32, #tpu.memory_space<vmem>>, %arg8: memref<512x128xf32, #tpu.memory_space<vmem>>) attributes {dimension_semantics = [#tpu.dimension_semantics<arbitrary>], iteration_bounds = array<i64: 4>, scalar_prefetch = 0 : i64, scratch_operands = 0 : i64, tpu.core_type = #tpu.core_type<tc>, window_params = [{transform_indices = @transform_0, window_bounds = array<i64: 512, 2048>}, {transform_indices = @transform_1, window_bounds = array<i64: 2048, 2048>}, {pipeline_mode = #tpu.pipeline_mode<synchronous>, transform_indices = @transform_2, window_bounds = array<i64: 2048, 512>}, {pipeline_mode = #tpu.pipeline_mode<synchronous>, transform_indices = @transform_3, window_bounds = array<i64: 2048, 128>}, {transform_indices = @transform_4, window_bounds = array<i64: 1, 1, 512>}, {transform_indices = @transform_5, window_bounds = array<i64: 1, 1, 512>}, {transform_indices = @transform_6, window_bounds = array<i64: 512, 512>}, {transform_indices = @transform_7, window_bounds = array<i64: 512, 128>}]} {
    %get3A = arith.constant 0 : index
    %get3A_0 = arith.constant 0 : index
    %get3A_1 = vector.load %arg1[%get3A, %get3A_0] : memref<512x2048xf32, #tpu.memory_space<vmem>>, vector<512x2048xf32>
    %get3A_2 = arith.constant 0 : index
    %get3A_3 = arith.constant 0 : index
    %get3A_4 = vector.load %arg2[%get3A_2, %get3A_3] : memref<2048x2048xf32, #tpu.memory_space<vmem>>, vector<2048x2048xf32>
    %dot_general3A = arith.constant dense<0.000000e+00> : vector<512x2048xf32>
    %dot_general3A_5 = tpu.matmul %get3A_1, %get3A_4, %dot_general3A {dimension_numbers = #tpu.dot_dimension_numbers<[1], [0], [0], [1], [0, 0, 1, 1], [], []>, transpose_lhs_hint = false} : vector<512x2048xf32>, vector<2048x2048xf32>, vector<512x2048xf32> -> vector<512x2048xf32>
    %iota3A = tpu.iota {dimensions = array<i32: 1>} : vector<512x2048xi32>
    %lt3A = arith.constant 2002 : i32
    %lt3A_6 = vector.broadcast %lt3A : i32 to vector<512x2048xi32>
    %lt3A_7 = arith.cmpi slt, %iota3A, %lt3A_6 : vector<512x2048xi32>
    %jit3A = arith.constant -1.000000e+30 : f32
    %broadcast_in_dim3A = vector.broadcast %jit3A : f32 to vector<512x2048xf32>
    %select_n3A = arith.select %lt3A_7, %dot_general3A_5, %broadcast_in_dim3A : vector<512x2048xi1>, vector<512x2048xf32>
    %get3A_8 = arith.constant 0 : index
    %get3A_9 = arith.constant 0 : index
    %get3A_10 = arith.constant 0 : index
    %get3A_11 = vector.load %arg5[%get3A_8, %get3A_9, %get3A_10] : memref<1x1x512xi32, #tpu.memory_space<vmem>>, vector<1x1x512xi32>
    %get3A_12 = vector.shape_cast %get3A_11 : vector<1x1x512xi32> to vector<512xi32>
    %lt3A_13 = arith.constant 2000 : i32
    %lt3A_14 = vector.broadcast %lt3A_13 : i32 to vector<512xi32>
    %lt3A_15 = arith.cmpi slt, %get3A_12, %lt3A_14 : vector<512xi32>
    %lt3A_16 = arith.constant 20000 : i32
    %lt3A_17 = vector.broadcast %lt3A_16 : i32 to vector<512xi32>
    %lt3A_18 = arith.cmpi slt, %get3A_12, %lt3A_17 : vector<512xi32>
    %jit3A_19 = arith.constant 2000 : i32
    %jit3A_20 = arith.constant 2001 : i32
    %broadcast_in_dim3A_21 = vector.broadcast %jit3A_19 : i32 to vector<512xi32>
    %broadcast_in_dim3A_22 = vector.broadcast %jit3A_20 : i32 to vector<512xi32>
    %select_n3A_23 = arith.select %lt3A_18, %broadcast_in_dim3A_21, %broadcast_in_dim3A_22 : vector<512xi1>, vector<512xi32>
    %select_n3A_24 = arith.select %lt3A_15, %get3A_12, %select_n3A_23 : vector<512xi1>, vector<512xi32>
    %broadcast_in_dim3A_25 = vector.shape_cast %select_n3A_24 : vector<512xi32> to vector<512x1xi32>
    %eq3A = vector.broadcast %broadcast_in_dim3A_25 : vector<512x1xi32> to vector<512x2048xi32>
    %eq3A_26 = arith.cmpi eq, %iota3A, %eq3A : vector<512x2048xi32>
    %jit3A_27 = arith.constant 0.000000e+00 : f32
    %broadcast_in_dim3A_28 = vector.broadcast %jit3A_27 : f32 to vector<512x2048xf32>
    %select_n3A_29 = arith.select %eq3A_26, %select_n3A, %broadcast_in_dim3A_28 : vector<512x2048xi1>, vector<512x2048xf32>
    %reduce_sum3A = arith.constant dense<0.000000e+00> : vector<512xf32>
    %reduce_sum3A_30 = vector.multi_reduction <add>, %select_n3A_29, %reduce_sum3A [1] : vector<512x2048xf32> to vector<512xf32>
    %reduce_max3A = arith.constant dense<0xFF800000> : vector<512xf32>
    %reduce_max3A_31 = vector.multi_reduction <maximumf>, %select_n3A, %reduce_max3A [1] : vector<512x2048xf32> to vector<512xf32>
    %broadcast_in_dim3A_32 = vector.shape_cast %reduce_max3A_31 : vector<512xf32> to vector<512x1xf32>
    %sub3A = vector.broadcast %broadcast_in_dim3A_32 : vector<512x1xf32> to vector<512x2048xf32>
    %sub3A_33 = arith.subf %select_n3A, %sub3A : vector<512x2048xf32>
    %exp3A = math.exp %sub3A_33 : vector<512x2048xf32>
    %reduce_sum3A_34 = arith.constant dense<0.000000e+00> : vector<512xf32>
    %reduce_sum3A_35 = vector.multi_reduction <add>, %exp3A, %reduce_sum3A_34 [1] : vector<512x2048xf32> to vector<512xf32>
    %log3A = math.log %reduce_sum3A_35 : vector<512xf32>
    %add3A = arith.addf %reduce_max3A_31, %log3A : vector<512xf32>
    %sub3A_36 = arith.subf %reduce_sum3A_30, %add3A : vector<512xf32>
    %swap3A = arith.constant 0 : index
    %swap3A_37 = arith.constant 0 : index
    %swap3A_38 = arith.constant 0 : index
    %swap3A_39 = vector.load %arg6[%swap3A, %swap3A_37, %swap3A_38] : memref<1x1x512xf32, #tpu.memory_space<vmem>>, vector<1x1x512xf32>
    %swap3A_40 = vector.shape_cast %swap3A_39 : vector<1x1x512xf32> to vector<512xf32>
    %swap3A_41 = vector.shape_cast %sub3A_36 : vector<512xf32> to vector<1x1x512xf32>
    tpu.vector_store %arg6[%swap3A, %swap3A_37, %swap3A_38], %swap3A_41 {strides = array<i32>} : memref<1x1x512xf32, #tpu.memory_space<vmem>>, vector<1x1x512xf32>,
    %get3A_42 = arith.constant 0 : index
    %get3A_43 = arith.constant 0 : index
    %get3A_44 = vector.load %arg3[%get3A_42, %get3A_43] : memref<2048x512xf32, #tpu.memory_space<vmem>>, vector<2048x512xf32>
    %dot_general3A_45 = arith.constant dense<0.000000e+00> : vector<512x512xf32>
    %dot_general3A_46 = tpu.matmul %get3A_1, %get3A_44, %dot_general3A_45 {dimension_numbers = #tpu.dot_dimension_numbers<[1], [0], [0], [1], [0, 0, 1, 1], [], []>, transpose_lhs_hint = false} : vector<512x2048xf32>, vector<2048x512xf32>, vector<512x512xf32> -> vector<512x512xf32>
    %mul3A = arith.constant 1.44269502 : f32
    %mul3A_47 = vector.broadcast %mul3A : f32 to vector<512x512xf32>
    %mul3A_48 = arith.mulf %dot_general3A_46, %mul3A_47 : vector<512x512xf32>
    %swap3A_49 = arith.constant 0 : index
    %swap3A_50 = arith.constant 0 : index
    %swap3A_51 = vector.load %arg7[%swap3A_49, %swap3A_50] : memref<512x512xf32, #tpu.memory_space<vmem>>, vector<512x512xf32>
    tpu.vector_store %arg7[%swap3A_49, %swap3A_50], %mul3A_48 {strides = array<i32>} : memref<512x512xf32, #tpu.memory_space<vmem>>, vector<512x512xf32>,
    %get3A_52 = arith.constant 0 : index
    %get3A_53 = arith.constant 0 : index
    %get3A_54 = vector.load %arg4[%get3A_52, %get3A_53] : memref<2048x128xf32, #tpu.memory_space<vmem>>, vector<2048x128xf32>
    %dot_general3A_55 = arith.constant dense<0.000000e+00> : vector<512x128xf32>
    %dot_general3A_56 = tpu.matmul %get3A_1, %get3A_54, %dot_general3A_55 {dimension_numbers = #tpu.dot_dimension_numbers<[1], [0], [0], [1], [0, 0, 1, 1], [], []>, transpose_lhs_hint = false} : vector<512x2048xf32>, vector<2048x128xf32>, vector<512x128xf32> -> vector<512x128xf32>
    %mul3A_57 = arith.constant 1.44269502 : f32
    %mul3A_58 = vector.broadcast %mul3A_57 : f32 to vector<512x128xf32>
    %mul3A_59 = arith.mulf %dot_general3A_56, %mul3A_58 : vector<512x128xf32>
    %swap3A_60 = arith.constant 0 : index
    %swap3A_61 = arith.constant 0 : index
    %swap3A_62 = vector.load %arg8[%swap3A_60, %swap3A_61] : memref<512x128xf32, #tpu.memory_space<vmem>>, vector<512x128xf32>
    tpu.vector_store %arg8[%swap3A_60, %swap3A_61], %mul3A_59 {strides = array<i32>} : memref<512x128xf32, #tpu.memory_space<vmem>>, vector<512x128xf32>,
    return
  }
  func.func @transform_0(%arg0: i32) -> (i32, i32) {
    %c0_i32 = arith.constant 0 : i32
    %c0_i32_0 = arith.constant 0 : i32
    return %arg0, %c0_i32 : i32, i32
  }
  func.func @transform_1(%arg0: i32) -> (i32, i32) {
    %c0_i32 = arith.constant 0 : i32
    %c0_i32_0 = arith.constant 0 : i32
    %c0_i32_1 = arith.constant 0 : i32
    return %c0_i32, %c0_i32_0 : i32, i32
  }
  func.func @transform_2(%arg0: i32) -> (i32, i32) {
    %c0_i32 = arith.constant 0 : i32
    %c0_i32_0 = arith.constant 0 : i32
    %c0_i32_1 = arith.constant 0 : i32
    return %c0_i32, %c0_i32_0 : i32, i32
  }
  func.func @transform_3(%arg0: i32) -> (i32, i32) {
    %c0_i32 = arith.constant 0 : i32
    %c0_i32_0 = arith.constant 0 : i32
    %c0_i32_1 = arith.constant 0 : i32
    return %c0_i32, %c0_i32_0 : i32, i32
  }
  func.func @transform_4(%arg0: i32) -> (i32, i32, i32) {
    %c0_i32 = arith.constant 0 : i32
    %c0_i32_0 = arith.constant 0 : i32
    %c0_i32_1 = arith.constant 0 : i32
    return %arg0, %c0_i32, %c0_i32_0 : i32, i32, i32
  }
  func.func @transform_5(%arg0: i32) -> (i32, i32, i32) {
    %c0_i32 = arith.constant 0 : i32
    %c0_i32_0 = arith.constant 0 : i32
    %c0_i32_1 = arith.constant 0 : i32
    return %arg0, %c0_i32, %c0_i32_0 : i32, i32, i32
  }
  func.func @transform_6(%arg0: i32) -> (i32, i32) {
    %c0_i32 = arith.constant 0 : i32
    %c0_i32_0 = arith.constant 0 : i32
    return %arg0, %c0_i32 : i32, i32
  }
  func.func @transform_7(%arg0: i32) -> (i32, i32) {
    %c0_i32 = arith.constant 0 : i32
    %c0_i32_0 = arith.constant 0 : i32
    return %arg0, %c0_i32 : i32, i32
  }
}

module attributes {stable_mosaic.version = 14 : i64} {
  func.func @_tail1_kernel(%arg0: i32, %arg1: memref<2048x128xf32, #tpu.memory_space<vmem>>, %arg2: memref<128x2048xf32, #tpu.memory_space<vmem>>, %arg3: memref<2048x1xi32, #tpu.memory_space<vmem>>, %arg4: memref<2048x1xf32, #tpu.memory_space<vmem>>, %arg5: memref<2048x1xf32, #tpu.memory_space<vmem>>, %arg6: memref<2048x1xf32, #tpu.memory_space<vmem>>) attributes {dimension_semantics = [#tpu.dimension_semantics<arbitrary>], iteration_bounds = array<i64: 40>, scalar_prefetch = 0 : i64, scratch_operands = 2 : i64, tpu.core_type = #tpu.core_type<tc>, window_params = [{pipeline_mode = #tpu.pipeline_mode<synchronous>, transform_indices = @transform_0, window_bounds = array<i64: 2048, 128>}, {transform_indices = @transform_1, window_bounds = array<i64: 128, 2048>}, {pipeline_mode = #tpu.pipeline_mode<synchronous>, transform_indices = @transform_2, window_bounds = array<i64: 2048, 1>}, {pipeline_mode = #tpu.pipeline_mode<synchronous>, transform_indices = @transform_3, window_bounds = array<i64: 2048, 1>}]} {
    %eq3A = arith.constant 0 : i32
    %eq3A_0 = arith.cmpi eq, %arg0, %eq3A : i32
    %convert_element_type3A = arith.extui %eq3A_0 : i1 to i32
    %cond3A = arith.constant 0 : i32
    %cond3A_1 = arith.cmpi ne, %convert_element_type3A, %cond3A : i32
    scf.if %cond3A_1 {
      %broadcast_in_dim3A_31 = arith.constant 0.000000e+00 : f32
      %broadcast_in_dim3A_32 = vector.broadcast %broadcast_in_dim3A_31 : f32 to vector<2048x1xf32>
      %swap3A_33 = arith.constant 0 : index
      %swap3A_34 = arith.constant 0 : index
      %swap3A_35 = vector.load %arg5[%swap3A_33, %swap3A_34] : memref<2048x1xf32, #tpu.memory_space<vmem>>, vector<2048x1xf32>
      tpu.vector_store %arg5[%swap3A_33, %swap3A_34], %broadcast_in_dim3A_32 {strides = array<i32>} : memref<2048x1xf32, #tpu.memory_space<vmem>>, vector<2048x1xf32>,
      %broadcast_in_dim3A_36 = arith.constant 0.000000e+00 : f32
      %broadcast_in_dim3A_37 = vector.broadcast %broadcast_in_dim3A_36 : f32 to vector<2048x1xf32>
      %swap3A_38 = arith.constant 0 : index
      %swap3A_39 = arith.constant 0 : index
      %swap3A_40 = vector.load %arg6[%swap3A_38, %swap3A_39] : memref<2048x1xf32, #tpu.memory_space<vmem>>, vector<2048x1xf32>
      tpu.vector_store %arg6[%swap3A_38, %swap3A_39], %broadcast_in_dim3A_37 {strides = array<i32>} : memref<2048x1xf32, #tpu.memory_space<vmem>>, vector<2048x1xf32>,
    } else {
    }
    %get3A = arith.constant 0 : index
    %get3A_2 = arith.constant 0 : index
    %get3A_3 = vector.load %arg1[%get3A, %get3A_2] : memref<2048x128xf32, #tpu.memory_space<vmem>>, vector<2048x128xf32>
    %get3A_4 = arith.constant 0 : index
    %get3A_5 = arith.constant 0 : index
    %get3A_6 = vector.load %arg2[%get3A_4, %get3A_5] : memref<128x2048xf32, #tpu.memory_space<vmem>>, vector<128x2048xf32>
    %dot_general3A = arith.constant dense<0.000000e+00> : vector<2048x2048xf32>
    %dot_general3A_7 = tpu.matmul %get3A_3, %get3A_6, %dot_general3A {dimension_numbers = #tpu.dot_dimension_numbers<[1], [0], [0], [1], [0, 0, 1, 1], [], []>, transpose_lhs_hint = false} : vector<2048x128xf32>, vector<128x2048xf32>, vector<2048x2048xf32> -> vector<2048x2048xf32>
    %iota3A = tpu.iota {dimensions = array<i32: 1>} : vector<2048x2048xi32>
    %get3A_8 = arith.constant 0 : index
    %get3A_9 = arith.constant 0 : index
    %get3A_10 = vector.load %arg3[%get3A_8, %get3A_9] : memref<2048x1xi32, #tpu.memory_space<vmem>>, vector<2048x1xi32>
    %mul3A = arith.constant 2048 : i32
    %mul3A_11 = arith.muli %arg0, %mul3A : i32
    %sub3A = vector.broadcast %mul3A_11 : i32 to vector<2048x1xi32>
    %sub3A_12 = arith.subi %get3A_10, %sub3A : vector<2048x1xi32>
    %get3A_13 = arith.constant 0 : index
    %get3A_14 = arith.constant 0 : index
    %get3A_15 = vector.load %arg6[%get3A_13, %get3A_14] : memref<2048x1xf32, #tpu.memory_space<vmem>>, vector<2048x1xf32>
    %eq3A_16 = vector.broadcast %sub3A_12 : vector<2048x1xi32> to vector<2048x2048xi32>
    %eq3A_17 = arith.cmpi eq, %iota3A, %eq3A_16 : vector<2048x2048xi32>
    %jit3A = arith.constant 0.000000e+00 : f32
    %broadcast_in_dim3A = vector.broadcast %jit3A : f32 to vector<2048x2048xf32>
    %select_n3A = arith.select %eq3A_17, %dot_general3A_7, %broadcast_in_dim3A : vector<2048x2048xi1>, vector<2048x2048xf32>
    %reduce_sum3A = arith.constant dense<0.000000e+00> : vector<2048xf32>
    %reduce_sum3A_18 = vector.multi_reduction <add>, %select_n3A, %reduce_sum3A [1] : vector<2048x2048xf32> to vector<2048xf32>
    %broadcast_in_dim3A_19 = vector.shape_cast %reduce_sum3A_18 : vector<2048xf32> to vector<2048x1xf32>
    %add3A = arith.addf %get3A_15, %broadcast_in_dim3A_19 : vector<2048x1xf32>
    %swap3A = arith.constant 0 : index
    %swap3A_20 = arith.constant 0 : index
    %swap3A_21 = vector.load %arg6[%swap3A, %swap3A_20] : memref<2048x1xf32, #tpu.memory_space<vmem>>, vector<2048x1xf32>
    tpu.vector_store %arg6[%swap3A, %swap3A_20], %add3A {strides = array<i32>} : memref<2048x1xf32, #tpu.memory_space<vmem>>, vector<2048x1xf32>,
    %lt3A = arith.constant 39 : i32
    %lt3A_22 = arith.cmpi slt, %arg0, %lt3A : i32
    %convert_element_type3A_23 = arith.extui %lt3A_22 : i1 to i32
    %cond3A_24 = arith.constant 0 : i32
    %cond3A_25 = arith.cmpi ne, %convert_element_type3A_23, %cond3A_24 : i32
    scf.if %cond3A_25 {
      %get3A_31 = arith.constant 0 : index
      %get3A_32 = arith.constant 0 : index
      %get3A_33 = vector.load %arg5[%get3A_31, %get3A_32] : memref<2048x1xf32, #tpu.memory_space<vmem>>, vector<2048x1xf32>
      %exp23A = math.exp2 %dot_general3A_7 : vector<2048x2048xf32>
      %reduce_sum3A_34 = arith.constant dense<0.000000e+00> : vector<2048xf32>
      %reduce_sum3A_35 = vector.multi_reduction <add>, %exp23A, %reduce_sum3A_34 [1] : vector<2048x2048xf32> to vector<2048xf32>
      %broadcast_in_dim3A_36 = vector.shape_cast %reduce_sum3A_35 : vector<2048xf32> to vector<2048x1xf32>
      %add3A_37 = arith.addf %get3A_33, %broadcast_in_dim3A_36 : vector<2048x1xf32>
      %swap3A_38 = arith.constant 0 : index
      %swap3A_39 = arith.constant 0 : index
      %swap3A_40 = vector.load %arg5[%swap3A_38, %swap3A_39] : memref<2048x1xf32, #tpu.memory_space<vmem>>, vector<2048x1xf32>
      tpu.vector_store %arg5[%swap3A_38, %swap3A_39], %add3A_37 {strides = array<i32>} : memref<2048x1xf32, #tpu.memory_space<vmem>>, vector<2048x1xf32>,
    } else {
    }
    %eq3A_26 = arith.constant 39 : i32
    %eq3A_27 = arith.cmpi eq, %arg0, %eq3A_26 : i32
    %convert_element_type3A_28 = arith.extui %eq3A_27 : i1 to i32
    %cond3A_29 = arith.constant 0 : i32
    %cond3A_30 = arith.cmpi ne, %convert_element_type3A_28, %cond3A_29 : i32
    scf.if %cond3A_30 {
      %mul3A_31 = arith.constant 2048 : i32
      %mul3A_32 = arith.muli %arg0, %mul3A_31 : i32
      %sub3A_33 = arith.constant 80000 : i32
      %sub3A_34 = arith.subi %sub3A_33, %mul3A_32 : i32
      %lt3A_35 = vector.broadcast %sub3A_34 : i32 to vector<2048x2048xi32>
      %lt3A_36 = arith.cmpi slt, %iota3A, %lt3A_35 : vector<2048x2048xi32>
      %jit3A_37 = arith.constant -1.000000e+30 : f32
      %broadcast_in_dim3A_38 = vector.broadcast %jit3A_37 : f32 to vector<2048x2048xf32>
      %select_n3A_39 = arith.select %lt3A_36, %dot_general3A_7, %broadcast_in_dim3A_38 : vector<2048x2048xi1>, vector<2048x2048xf32>
      %exp23A = math.exp2 %select_n3A_39 : vector<2048x2048xf32>
      %get3A_40 = arith.constant 0 : index
      %get3A_41 = arith.constant 0 : index
      %get3A_42 = vector.load %arg5[%get3A_40, %get3A_41] : memref<2048x1xf32, #tpu.memory_space<vmem>>, vector<2048x1xf32>
      %reduce_sum3A_43 = arith.constant dense<0.000000e+00> : vector<2048xf32>
      %reduce_sum3A_44 = vector.multi_reduction <add>, %exp23A, %reduce_sum3A_43 [1] : vector<2048x2048xf32> to vector<2048xf32>
      %broadcast_in_dim3A_45 = vector.shape_cast %reduce_sum3A_44 : vector<2048xf32> to vector<2048x1xf32>
      %add3A_46 = arith.addf %get3A_42, %broadcast_in_dim3A_45 : vector<2048x1xf32>
      %get3A_47 = arith.constant 0 : index
      %get3A_48 = arith.constant 0 : index
      %get3A_49 = vector.load %arg6[%get3A_47, %get3A_48] : memref<2048x1xf32, #tpu.memory_space<vmem>>, vector<2048x1xf32>
      %mul3A_50 = arith.constant 0.693147182 : f32
      %mul3A_51 = vector.broadcast %mul3A_50 : f32 to vector<2048x1xf32>
      %mul3A_52 = arith.mulf %get3A_49, %mul3A_51 : vector<2048x1xf32>
      %log3A = math.log %add3A_46 : vector<2048x1xf32>
      %sub3A_53 = arith.subf %mul3A_52, %log3A : vector<2048x1xf32>
      %swap3A_54 = arith.constant 0 : index
      %swap3A_55 = arith.constant 0 : index
      %swap3A_56 = vector.load %arg4[%swap3A_54, %swap3A_55] : memref<2048x1xf32, #tpu.memory_space<vmem>>, vector<2048x1xf32>
      tpu.vector_store %arg4[%swap3A_54, %swap3A_55], %sub3A_53 {strides = array<i32>} : memref<2048x1xf32, #tpu.memory_space<vmem>>, vector<2048x1xf32>,
    } else {
    }
    return
  }
  func.func @transform_0(%arg0: i32) -> (i32, i32) {
    %c0_i32 = arith.constant 0 : i32
    %c0_i32_0 = arith.constant 0 : i32
    %c0_i32_1 = arith.constant 0 : i32
    return %c0_i32, %c0_i32_0 : i32, i32
  }
  func.func @transform_1(%arg0: i32) -> (i32, i32) {
    %c0_i32 = arith.constant 0 : i32
    %c0_i32_0 = arith.constant 0 : i32
    return %c0_i32, %arg0 : i32, i32
  }
  func.func @transform_2(%arg0: i32) -> (i32, i32) {
    %c0_i32 = arith.constant 0 : i32
    %c0_i32_0 = arith.constant 0 : i32
    %c0_i32_1 = arith.constant 0 : i32
    return %c0_i32, %c0_i32_0 : i32, i32
  }
  func.func @transform_3(%arg0: i32) -> (i32, i32) {
    %c0_i32 = arith.constant 0 : i32
    %c0_i32_0 = arith.constant 0 : i32
    %c0_i32_1 = arith.constant 0 : i32
    return %c0_i32, %c0_i32_0 : i32, i32
  }
}

module attributes {stable_mosaic.version = 14 : i64} {
  func.func @_tail0_kernel(%arg0: i32, %arg1: i32, %arg2: memref<10xi32, #tpu.memory_space<smem>>, %arg3: memref<2048x512xf32, #tpu.memory_space<vmem>>, %arg4: memref<512x2048xf32, #tpu.memory_space<vmem>>, %arg5: memref<2048x1xi32, #tpu.memory_space<vmem>>, %arg6: memref<2048x1xf32, #tpu.memory_space<vmem>>, %arg7: memref<2048x1xf32, #tpu.memory_space<vmem>>, %arg8: memref<2048x1xf32, #tpu.memory_space<vmem>>) attributes {dimension_semantics = [#tpu.dimension_semantics<arbitrary>, #tpu.dimension_semantics<arbitrary>], iteration_bounds = array<i64: 9, 4>, scalar_prefetch = 1 : i64, scratch_operands = 2 : i64, tpu.core_type = #tpu.core_type<tc>, window_params = [{pipeline_mode = #tpu.pipeline_mode<synchronous>, transform_indices = @transform_0, window_bounds = array<i64: 2048, 512>}, {transform_indices = @transform_1, window_bounds = array<i64: 512, 2048>}, {pipeline_mode = #tpu.pipeline_mode<synchronous>, transform_indices = @transform_2, window_bounds = array<i64: 2048, 1>}, {pipeline_mode = #tpu.pipeline_mode<synchronous>, transform_indices = @transform_3, window_bounds = array<i64: 2048, 1>}]} {
    %get3A = arith.constant 0 : index
    %get3A_0 = memref.load %arg2[%get3A] : memref<10xi32, #tpu.memory_space<smem>>
    %get3A_1 = arith.constant 1 : index
    %get3A_2 = memref.load %arg2[%get3A_1] : memref<10xi32, #tpu.memory_space<smem>>
    %add3A = arith.constant 1 : i32
    %add3A_3 = arith.addi %arg1, %add3A : i32
    %mul3A = arith.constant 512 : i32
    %mul3A_4 = arith.muli %add3A_3, %mul3A : i32
    %gt3A = arith.cmpi sgt, %mul3A_4, %get3A_0 : i32
    %mul3A_5 = arith.constant 512 : i32
    %mul3A_6 = arith.muli %arg1, %mul3A_5 : i32
    %lt3A = arith.cmpi slt, %mul3A_6, %get3A_2 : i32
    %and3A = arith.andi %gt3A, %lt3A : i1
    %mul3A_7 = arith.constant 512 : i32
    %mul3A_8 = arith.muli %arg1, %mul3A_7 : i32
    %eq3A = arith.constant 0 : i32
    %eq3A_9 = arith.cmpi eq, %arg0, %eq3A : i32
    %convert_element_type3A = arith.extui %eq3A_9 : i1 to i32
    %cond3A = arith.constant 0 : i32
    %cond3A_10 = arith.cmpi ne, %convert_element_type3A, %cond3A : i32
    scf.if %cond3A_10 {
      %broadcast_in_dim3A = arith.constant 0.000000e+00 : f32
      %broadcast_in_dim3A_19 = vector.broadcast %broadcast_in_dim3A : f32 to vector<512x1xf32>
      %swap3A = arith.index_cast %mul3A_8 : i32 to index
      %swap3A_20 = arith.constant 0 : index
      %swap3A_21 = vector.load %arg7[%swap3A, %swap3A_20] : memref<2048x1xf32, #tpu.memory_space<vmem>>, vector<512x1xf32>
      tpu.vector_store %arg7[%swap3A, %swap3A_20], %broadcast_in_dim3A_19 {strides = array<i32>} : memref<2048x1xf32, #tpu.memory_space<vmem>>, vector<512x1xf32>,
      %broadcast_in_dim3A_22 = arith.constant 0.000000e+00 : f32
      %broadcast_in_dim3A_23 = vector.broadcast %broadcast_in_dim3A_22 : f32 to vector<512x1xf32>
      %swap3A_24 = arith.index_cast %mul3A_8 : i32 to index
      %swap3A_25 = arith.constant 0 : index
      %swap3A_26 = vector.load %arg8[%swap3A_24, %swap3A_25] : memref<2048x1xf32, #tpu.memory_space<vmem>>, vector<512x1xf32>
      tpu.vector_store %arg8[%swap3A_24, %swap3A_25], %broadcast_in_dim3A_23 {strides = array<i32>} : memref<2048x1xf32, #tpu.memory_space<vmem>>, vector<512x1xf32>,
    } else {
    }
    %convert_element_type3A_11 = arith.extui %and3A : i1 to i32
    %cond3A_12 = arith.constant 0 : i32
    %cond3A_13 = arith.cmpi ne, %convert_element_type3A_11, %cond3A_12 : i32
    scf.if %cond3A_13 {
      %get3A_19 = arith.index_cast %mul3A_8 : i32 to index
      %get3A_20 = arith.constant 0 : index
      %get3A_21 = vector.load %arg3[%get3A_19, %get3A_20] : memref<2048x512xf32, #tpu.memory_space<vmem>>, vector<512x512xf32>
      %get3A_22 = arith.constant 0 : index
      %get3A_23 = arith.constant 0 : index
      %get3A_24 = vector.load %arg4[%get3A_22, %get3A_23] : memref<512x2048xf32, #tpu.memory_space<vmem>>, vector<512x2048xf32>
      %dot_general3A = arith.constant dense<0.000000e+00> : vector<512x2048xf32>
      %dot_general3A_25 = tpu.matmul %get3A_21, %get3A_24, %dot_general3A {dimension_numbers = #tpu.dot_dimension_numbers<[1], [0], [0], [1], [0, 0, 1, 1], [], []>, transpose_lhs_hint = false} : vector<512x512xf32>, vector<512x2048xf32>, vector<512x2048xf32> -> vector<512x2048xf32>
      %iota3A = tpu.iota {dimensions = array<i32: 1>} : vector<512x2048xi32>
      %add3A_26 = arith.constant 2 : i32
      %add3A_27 = arith.addi %add3A_26, %arg1 : i32
      %get3A_28 = arith.index_cast %add3A_27 : i32 to index
      %get3A_29 = memref.load %arg2[%get3A_28] : memref<10xi32, #tpu.memory_space<smem>>
      %add3A_30 = arith.constant 1 : i32
      %add3A_31 = arith.addi %arg0, %add3A_30 : i32
      %mul3A_32 = arith.constant 2048 : i32
      %mul3A_33 = arith.muli %add3A_31, %mul3A_32 : i32
      %lt3A_34 = arith.cmpi slt, %get3A_29, %mul3A_33 : i32
      %add3A_35 = arith.constant 6 : i32
      %add3A_36 = arith.addi %add3A_35, %arg1 : i32
      %get3A_37 = arith.index_cast %add3A_36 : i32 to index
      %get3A_38 = memref.load %arg2[%get3A_37] : memref<10xi32, #tpu.memory_space<smem>>
      %mul3A_39 = arith.constant 2048 : i32
      %mul3A_40 = arith.muli %arg0, %mul3A_39 : i32
      %ge3A = arith.cmpi sge, %get3A_38, %mul3A_40 : i32
      %and3A_41 = arith.andi %lt3A_34, %ge3A : i1
      %convert_element_type3A_42 = arith.extui %and3A_41 : i1 to i32
      %cond3A_43 = arith.constant 0 : i32
      %cond3A_44 = arith.cmpi ne, %convert_element_type3A_42, %cond3A_43 : i32
      scf.if %cond3A_44 {
        %get3A_55 = arith.index_cast %mul3A_8 : i32 to index
        %get3A_56 = arith.constant 0 : index
        %get3A_57 = vector.load %arg5[%get3A_55, %get3A_56] : memref<2048x1xi32, #tpu.memory_space<vmem>>, vector<512x1xi32>
        %mul3A_58 = arith.constant 2048 : i32
        %mul3A_59 = arith.muli %arg0, %mul3A_58 : i32
        %sub3A = vector.broadcast %mul3A_59 : i32 to vector<512x1xi32>
        %sub3A_60 = arith.subi %get3A_57, %sub3A : vector<512x1xi32>
        %get3A_61 = arith.index_cast %mul3A_8 : i32 to index
        %get3A_62 = arith.constant 0 : index
        %get3A_63 = vector.load %arg8[%get3A_61, %get3A_62] : memref<2048x1xf32, #tpu.memory_space<vmem>>, vector<512x1xf32>
        %eq3A_64 = vector.broadcast %sub3A_60 : vector<512x1xi32> to vector<512x2048xi32>
        %eq3A_65 = arith.cmpi eq, %iota3A, %eq3A_64 : vector<512x2048xi32>
        %jit3A = arith.constant 0.000000e+00 : f32
        %broadcast_in_dim3A = vector.broadcast %jit3A : f32 to vector<512x2048xf32>
        %select_n3A = arith.select %eq3A_65, %dot_general3A_25, %broadcast_in_dim3A : vector<512x2048xi1>, vector<512x2048xf32>
        %reduce_sum3A = arith.constant dense<0.000000e+00> : vector<512xf32>
        %reduce_sum3A_66 = vector.multi_reduction <add>, %select_n3A, %reduce_sum3A [1] : vector<512x2048xf32> to vector<512xf32>
        %broadcast_in_dim3A_67 = vector.shape_cast %reduce_sum3A_66 : vector<512xf32> to vector<512x1xf32>
        %add3A_68 = arith.addf %get3A_63, %broadcast_in_dim3A_67 : vector<512x1xf32>
        %swap3A = arith.index_cast %mul3A_8 : i32 to index
        %swap3A_69 = arith.constant 0 : index
        %swap3A_70 = vector.load %arg8[%swap3A, %swap3A_69] : memref<2048x1xf32, #tpu.memory_space<vmem>>, vector<512x1xf32>
        tpu.vector_store %arg8[%swap3A, %swap3A_69], %add3A_68 {strides = array<i32>} : memref<2048x1xf32, #tpu.memory_space<vmem>>, vector<512x1xf32>,
      } else {
      }
      %lt3A_45 = arith.constant 8 : i32
      %lt3A_46 = arith.cmpi slt, %arg0, %lt3A_45 : i32
      %convert_element_type3A_47 = arith.extui %lt3A_46 : i1 to i32
      %cond3A_48 = arith.constant 0 : i32
      %cond3A_49 = arith.cmpi ne, %convert_element_type3A_47, %cond3A_48 : i32
      scf.if %cond3A_49 {
        %get3A_55 = arith.index_cast %mul3A_8 : i32 to index
        %get3A_56 = arith.constant 0 : index
        %get3A_57 = vector.load %arg7[%get3A_55, %get3A_56] : memref<2048x1xf32, #tpu.memory_space<vmem>>, vector<512x1xf32>
        %exp23A = math.exp2 %dot_general3A_25 : vector<512x2048xf32>
        %reduce_sum3A = arith.constant dense<0.000000e+00> : vector<512xf32>
        %reduce_sum3A_58 = vector.multi_reduction <add>, %exp23A, %reduce_sum3A [1] : vector<512x2048xf32> to vector<512xf32>
        %broadcast_in_dim3A = vector.shape_cast %reduce_sum3A_58 : vector<512xf32> to vector<512x1xf32>
        %add3A_59 = arith.addf %get3A_57, %broadcast_in_dim3A : vector<512x1xf32>
        %swap3A = arith.index_cast %mul3A_8 : i32 to index
        %swap3A_60 = arith.constant 0 : index
        %swap3A_61 = vector.load %arg7[%swap3A, %swap3A_60] : memref<2048x1xf32, #tpu.memory_space<vmem>>, vector<512x1xf32>
        tpu.vector_store %arg7[%swap3A, %swap3A_60], %add3A_59 {strides = array<i32>} : memref<2048x1xf32, #tpu.memory_space<vmem>>, vector<512x1xf32>,
      } else {
      }
      %eq3A_50 = arith.constant 8 : i32
      %eq3A_51 = arith.cmpi eq, %arg0, %eq3A_50 : i32
      %convert_element_type3A_52 = arith.extui %eq3A_51 : i1 to i32
      %cond3A_53 = arith.constant 0 : i32
      %cond3A_54 = arith.cmpi ne, %convert_element_type3A_52, %cond3A_53 : i32
      scf.if %cond3A_54 {
        %mul3A_55 = arith.constant 2048 : i32
        %mul3A_56 = arith.muli %arg0, %mul3A_55 : i32
        %sub3A = arith.constant 18000 : i32
        %sub3A_57 = arith.subi %sub3A, %mul3A_56 : i32
        %lt3A_58 = vector.broadcast %sub3A_57 : i32 to vector<512x2048xi32>
        %lt3A_59 = arith.cmpi slt, %iota3A, %lt3A_58 : vector<512x2048xi32>
        %jit3A = arith.constant -1.000000e+30 : f32
        %broadcast_in_dim3A = vector.broadcast %jit3A : f32 to vector<512x2048xf32>
        %select_n3A = arith.select %lt3A_59, %dot_general3A_25, %broadcast_in_dim3A : vector<512x2048xi1>, vector<512x2048xf32>
        %exp23A = math.exp2 %select_n3A : vector<512x2048xf32>
        %get3A_60 = arith.index_cast %mul3A_8 : i32 to index
        %get3A_61 = arith.constant 0 : index
        %get3A_62 = vector.load %arg7[%get3A_60, %get3A_61] : memref<2048x1xf32, #tpu.memory_space<vmem>>, vector<512x1xf32>
        %reduce_sum3A = arith.constant dense<0.000000e+00> : vector<512xf32>
        %reduce_sum3A_63 = vector.multi_reduction <add>, %exp23A, %reduce_sum3A [1] : vector<512x2048xf32> to vector<512xf32>
        %broadcast_in_dim3A_64 = vector.shape_cast %reduce_sum3A_63 : vector<512xf32> to vector<512x1xf32>
        %add3A_65 = arith.addf %get3A_62, %broadcast_in_dim3A_64 : vector<512x1xf32>
        %swap3A = arith.index_cast %mul3A_8 : i32 to index
        %swap3A_66 = arith.constant 0 : index
        %swap3A_67 = vector.load %arg7[%swap3A, %swap3A_66] : memref<2048x1xf32, #tpu.memory_space<vmem>>, vector<512x1xf32>
        tpu.vector_store %arg7[%swap3A, %swap3A_66], %add3A_65 {strides = array<i32>} : memref<2048x1xf32, #tpu.memory_space<vmem>>, vector<512x1xf32>,
      } else {
      }
    } else {
    }
    %eq3A_14 = arith.constant 8 : i32
    %eq3A_15 = arith.cmpi eq, %arg0, %eq3A_14 : i32
    %convert_element_type3A_16 = arith.extui %eq3A_15 : i1 to i32
    %cond3A_17 = arith.constant 0 : i32
    %cond3A_18 = arith.cmpi ne, %convert_element_type3A_16, %cond3A_17 : i32
    scf.if %cond3A_18 {
      %get3A_19 = arith.index_cast %mul3A_8 : i32 to index
      %get3A_20 = arith.constant 0 : index
      %get3A_21 = vector.load %arg8[%get3A_19, %get3A_20] : memref<2048x1xf32, #tpu.memory_space<vmem>>, vector<512x1xf32>
      %mul3A_22 = arith.constant 0.693147182 : f32
      %mul3A_23 = vector.broadcast %mul3A_22 : f32 to vector<512x1xf32>
      %mul3A_24 = arith.mulf %get3A_21, %mul3A_23 : vector<512x1xf32>
      %get3A_25 = arith.index_cast %mul3A_8 : i32 to index
      %get3A_26 = arith.constant 0 : index
      %get3A_27 = vector.load %arg7[%get3A_25, %get3A_26] : memref<2048x1xf32, #tpu.memory_space<vmem>>, vector<512x1xf32>
      %log3A = math.log %get3A_27 : vector<512x1xf32>
      %sub3A = arith.subf %mul3A_24, %log3A : vector<512x1xf32>
      %swap3A = arith.index_cast %mul3A_8 : i32 to index
      %swap3A_28 = arith.constant 0 : index
      %swap3A_29 = vector.load %arg6[%swap3A, %swap3A_28] : memref<2048x1xf32, #tpu.memory_space<vmem>>, vector<512x1xf32>
      tpu.vector_store %arg6[%swap3A, %swap3A_28], %sub3A {strides = array<i32>} : memref<2048x1xf32, #tpu.memory_space<vmem>>, vector<512x1xf32>,
    } else {
    }
    return
  }
  func.func @transform_0(%arg0: i32, %arg1: i32, %arg2: memref<10xi32, #tpu.memory_space<smem>>) -> (i32, i32) {
    %c0_i32 = arith.constant 0 : i32
    %c0_i32_0 = arith.constant 0 : i32
    %c0_i32_1 = arith.constant 0 : i32
    return %c0_i32, %c0_i32_0 : i32, i32
  }
  func.func @transform_1(%arg0: i32, %arg1: i32, %arg2: memref<10xi32, #tpu.memory_space<smem>>) -> (i32, i32) {
    %c0_i32 = arith.constant 0 : i32
    %c0_i32_0 = arith.constant 0 : i32
    return %c0_i32, %arg0 : i32, i32
  }
  func.func @transform_2(%arg0: i32, %arg1: i32, %arg2: memref<10xi32, #tpu.memory_space<smem>>) -> (i32, i32) {
    %c0_i32 = arith.constant 0 : i32
    %c0_i32_0 = arith.constant 0 : i32
    %c0_i32_1 = arith.constant 0 : i32
    return %c0_i32, %c0_i32_0 : i32, i32
  }
  func.func @transform_3(%arg0: i32, %arg1: i32, %arg2: memref<10xi32, #tpu.memory_space<smem>>) -> (i32, i32) {
    %c0_i32 = arith.constant 0 : i32
    %c0_i32_0 = arith.constant 0 : i32
    %c0_i32_1 = arith.constant 0 : i32
    return %c0_i32, %c0_i32_0 : i32, i32
  }
}

</mosaic_0001>

<sc_bundles>
// kernel: gather_offload_async_start.1
scs
__scs_entry_jumppad:
0x0: {  	(pc) =	sbr.rel $0x88, $3  }
0x1: {  	(tag) =	ssettag $0x0;
	lr =	simm.s32 $0x1  }
0x2: {  	[smem:$0x3F9A] =	sst lr;
	_ =	strace $0xD0000000  }
0x3: {  	_ = 	snop  }
0x4: {  	_ = 	snop  }
0x5: {  	_ = 	snop  }
0x6: {  	_ = 	snop  }
0x7: {  	_ = 	snop  }
__scs_overlays_trampoline_lowered:
0x8: {  	[smem:$0x3FA9] =	sst s0  }
0x9: {  	[smem:$0x3FAA] =	sst s1  }
0xa: {  	[smem:$0x3FAB] =	sst s2  }
0xb: {  	[smem:$0x3FAC] =	sst s3  }
0xc: {  	[smem:$0x3FAD] =	sst s4  }
0xd: {  	[smem:$0x3FAE] =	sst s5  }
0xe: {  	[smem:$0x3FAF] =	sst s6  }
0xf: {  	[smem:$0x3FB0] =	sst s7  }
0x10: {  	[smem:$0x3FB1] =	sst s8  }
0x11: {  	[smem:$0x3FB2] =	sst s9;
	s0 =	simm.s32 @!p0 $0x0  }
0x12: {  	s1 =	sld [smem:$0x3F98];
	s0 =	simm.s32 @p0 $0x1  }
0x13: {  	[smem:$0x3FB3] =	sst s0;
	s0 =	simm.s32 @!p1 $0x0  }
0x14: {  	s2 =	sld [smem:$0x3F97];
	s0 =	simm.s32 @p1 $0x1  }
0x15: {  	[smem:$0x3FB4] =	sst s0;
	s0 =	simm.s32 @!p2 $0x0  }
0x16: {  	s3 =	sld [smem:$0x3FDB];
	s0 =	simm.s32 @p2 $0x1  }
0x17: {  	s4 =	simm.s32 $0x1BF5;
	[smem:$0x3FB6] =	sst s0  }
0x18: {  	s0 =	sld [smem:$0x3F99];
	_ =	swait.ge [sflag:s4], $0x0  }
0x19: {  	s7 =	sld [smem:$0x3F9A]  }
0x1a: {  	s8 =	sadd.s32 $0xFFFFE003, lr  }
0x1b: {  	s9 =	sadd.s32 $0xFFFFFEF7, lr;
	s5 =	simm.s32 $0xFFFFFFFF;
	p2 =	slt.u32 s8, $0xFFFFF086  }
0x1c: {  	p1 =	slt.u32 s9, $0xF7A;
	s5 =	simm.s32 @!p2 $0x0  }
0x1d: {  	s5 =	simm.s32 @p1 $0x1;
	p0 =	seq.s32 s7, s2  }
0x1e: {  	s7 =	smul.u32 @!p0 $0xF7A, s2;
	p2 =	seq.s32 @!p0 s5, $0x0  }
0x1f: {  	s9 =	smul.u32 $0xF7A, s1;
	s8 =	simm.s32 @!p0 $0x1BF5;
	p2 =	por !p2, p0  }
0x20: {  	[sflag:s8] =	ssyncset.s32 @!p0 $0xFFFFF086;
	s6 =	sadd.s32 @!p0 s3, s7;
	s7 =	simm.s32 @!p0 $0x108  }
0x21: {  	s3 =	sadd.s32 s3, s9;
	s6 =	sadd.s32 @!p0 $0x88, s6;
	s7 =	simm.s32 @p2 $0x1082  }
0x22: {  	[simem:s7], [sflag:s8] =	dma.local @!p0 [hbm:s6], $0xF7A  }
0x23: {  	s9 =	sor.u32 $0xD0000000, s2;
	s6 =	simm.s32 $0x108;
	_ =	swait.ge @!p0 [sflag:s8], $0x0  }
0x24: {  	s3 =	sadd.s32 $0x88, s3;
	s6 =	simm.s32 @!p1 $0x1082;
	[sflag:s4] =	ssyncset.s32 $0xFFFFF086  }
0x25: {  	[simem:s6], [sflag:s4] =	dma.local [hbm:s3], $0xF7A  }
0x26: {  	[smem:$0x3F9A] =	sst s1;
	(tag) =	ssettag s2;
	_ =	strace s9  }
0x27: {  	s1 =	sld [smem:$0x3FAA]  }
0x28: {  	s2 =	sld [smem:$0x3FAB]  }
0x29: {  	s4 =	sld [smem:$0x3FAD]  }
0x2a: {  	p0 =	seq.s32 s5, $0x0;
	s5 =	sld [smem:$0x3FAE]  }
0x2b: {  	s6 =	sld [smem:$0x3FAF]  }
0x2c: {  	s7 =	sld [smem:$0x3FB0]  }
0x2d: {  	s3 =	simm.s32 $0x108;
	s8 =	sld [smem:$0x3FB1]  }
0x2e: {  	s3 =	simm.s32 @!p0 $0x1082;
	s9 =	sld [smem:$0x3FB2]  }
0x2f: {  	lr =	sadd.s32 s0, s3;
	s0 =	sld [smem:$0x3FA9]  }
0x30: {  	s3 =	sld [smem:$0x3FAC]  }
0x31: {  	[smem:$0x3FB5] =	sst s10  }
0x32: {  	s10 =	sld [smem:$0x3FB3];
	_ =	sdelay $0x3  }
0x33: {  	p0 =	seq.s32 s10, $0x1;
	s10 =	sld [smem:$0x3FB5];
	_ =	sdelay $0x3  }
0x34: {  	[smem:$0x3FB5] =	sst s10  }
0x35: {  	s10 =	sld [smem:$0x3FB4];
	_ =	sdelay $0x3  }
0x36: {  	p1 =	seq.s32 s10, $0x1;
	s10 =	sld [smem:$0x3FB5];
	_ =	sdelay $0x3  }
0x37: {  	[smem:$0x3FB5] =	sst s10  }
0x38: {  	s10 =	sld [smem:$0x3FB6]  }
0x39: {  	_ = 	snop;
	(pc) =	sbr.ind lr, $3  }
0x3a: {  	_ = 	snop  }
0x3b: {  	_ = 	snop  }
0x3c: {  	p2 =	seq.s32 s10, $0x1;
	s10 =	sld [smem:$0x3FB5]  }
0x3d: {  	_ =	shalt  }
0x3e: {  	_ =	shalt  }
0x3f: {  	_ =	shalt  }
0x40: {  	_ =	shalt  }
0x41: {  	_ =	shalt  }
0x42: {  	_ =	shalt  }
0x43: {  	_ =	shalt  }
0x44: {  	_ =	shalt  }
0x45: {  	_ =	shalt  }
0x46: {  	_ =	shalt  }
0x47: {  	_ =	shalt  }
0x48: {  	_ =	shalt  }
0x49: {  	_ =	shalt  }
0x4a: {  	_ =	shalt  }
0x4b: {  	_ =	shalt  }
0x4c: {  	_ =	shalt  }
0x4d: {  	_ =	shalt  }
0x4e: {  	_ =	shalt  }
0x4f: {  	_ =	shalt  }
0x50: {  	_ =	shalt  }
0x51: {  	_ =	shalt  }
0x52: {  	_ =	shalt  }
0x53: {  	_ =	shalt  }
0x54: {  	_ =	shalt  }
0x55: {  	_ =	shalt  }
0x56: {  	_ =	shalt  }
0x57: {  	_ =	shalt  }
0x58: {  	_ =	shalt  }
0x59: {  	_ =	shalt  }
0x5a: {  	_ =	shalt  }
0x5b: {  	_ =	shalt  }
0x5c: {  	_ =	shalt  }
0x5d: {  	_ =	shalt  }
0x5e: {  	_ =	shalt  }
0x5f: {  	_ =	shalt  }
0x60: {  	_ =	shalt  }
0x61: {  	_ =	shalt  }
0x62: {  	_ =	shalt  }
0x63: {  	_ =	shalt  }
0x64: {  	_ =	shalt  }
0x65: {  	_ =	shalt  }
0x66: {  	_ =	shalt  }
0x67: {  	_ =	shalt  }
0x68: {  	_ =	shalt  }
0x69: {  	_ =	shalt  }
0x6a: {  	_ =	shalt  }
0x6b: {  	_ =	shalt  }
0x6c: {  	_ =	shalt  }
0x6d: {  	_ =	shalt  }
0x6e: {  	_ =	shalt  }
0x6f: {  	_ =	shalt  }
0x70: {  	_ =	shalt  }
0x71: {  	_ =	shalt  }
0x72: {  	_ =	shalt  }
0x73: {  	_ =	shalt  }
0x74: {  	_ =	shalt  }
0x75: {  	_ =	shalt  }
0x76: {  	_ =	shalt  }
0x77: {  	_ =	shalt  }
0x78: {  	_ =	shalt  }
0x79: {  	_ =	shalt  }
0x7a: {  	_ =	shalt  }
0x7b: {  	_ =	shalt  }
0x7c: {  	_ =	shalt  }
0x7d: {  	_ =	shalt  }
0x7e: {  	_ =	shalt  }
0x7f: {  	_ =	shalt  }
0x80: {  	_ =	shalt  }
0x81: {  	_ =	shalt  }
0x82: {  	_ =	shalt  }
0x83: {  	_ =	shalt  }
0x84: {  	_ =	shalt  }
0x85: {  	_ =	shalt  }
0x86: {  	_ =	shalt  }
0x87: {  	_ =	shalt  }
.Lfunc_end0:
.L_simem_size_0:
called_computation.1_lowered:
.L_overlay_start_0:
0x88: {  	s2 =	sld [smem:$0x3FD9]  }
0x89: {  	s3 =	sld [smem:$0x3FFE];
	_ =	sdelay $0x1  }
0x8a: {  	s1 =	srdreg.scid  }
0x8b: {  	s0 =	sand.u32 $0x1, s1  }
0x8c: {  	s16 =	sshll.u32 s0, $0xA;
	s2 =	sadd.s32 s3, s2  }
0x8d: {  	s2 =	sadd.s32 s2, s16  }
0x8e: {  	[smem:$0x3FC1] =	sst s2  }
0x8f: {  	_ = 	snop  }
0x90: {  	(tm) =	ssettm $0x1  }
0x91: {  	s17 =	sld [smem:$0x3FFB];
	_ =	sdelay $0x3  }
0x92: {  	_ =	strace s17  }
0x93: {  	s2 =	sld [smem:$0x3FFC];
	_ =	sdelay $0x3  }
0x94: {  	_ =	strace s2  }
0x95: {  	s2 =	sld [smem:$0x3FFD];
	_ =	sdelay $0x3  }
0x96: {  	_ =	strace s2  }
0x97: {  	_ =	strace $0x8FFFFFFF  }
0x98: {  	s18 =	sld [smem:$0x3FDB];
	_ =	sdelay $0x1  }
0x99: {  	s19 =	simm.s32 $_scs_section_size  }
0x9a: {  	s4 =	simm.s32 $_size__tile_overlayer_lowered;
	s5 =	simm.s32 $_tile_overlayer_lowered  }
0x9b: {  	s22 =	simm.s32 $0x1BFF;
	s21 =	sshll.u32 s5, $0x1;
	s2 =	sadd.s32 s19, s18  }
0x9c: {  	s6 =	simm.s32 $0x0;
	s20 =	sshll.u32 s4, $0x1;
	s4 =	sadd.s32 s21, s2  }
0x9d: {  	[timem:s6], [sflag:s22] =	dma.local [hbm:s4], s20  }
0x9e: {  	_ =	swait.ge [sflag:s22], s20  }
0x9f: {  	s3 =	ssub.s32 $0x0, s20;
	[sflag:s22] =	ssyncset.done $0x0  }
0xa0: {  	[sflag:s22] =	ssyncadd.s32 s3;
	_ =	sdelay $0x1  }
0xa1: {  	s23 =	simm.s32 $0x1B8B  }
0xa2: {  	_ =	swait.ge [sflag:s23], $0x1  }
0xa3: {  	[sflag:s23] =	ssyncset.done $0x0  }
0xa4: {  	s25 =	simm.s32 $0x1B8E;
	s24 =	sld [smem:$0x3FFE];
	[sflag:s23] =	ssyncadd.s32 $0xFFFFFFFF  }
0xa5: {  	s26 =	simm.s32 $execute0_lowered;
	[smem:$0x3FD2] =	sst s25  }
0xa6: {  	s4 =	sshll.u32 s26, $0x1;
	_ =	strace $0x80000049;
	[dreg:$0x1] =	wrdreg $0xFFFFFFFF  }
0xa7: {  	s28 =	simm.s32 $_size_execute0_lowered;
	s2 =	sadd.s32 s2, s4;
	[dreg:$0x0] =	wrdreg $0x0  }
0xa8: {  	s4 =	sshll.u32 s28, $0x1;
	[dreg:$0x2] =	wrdreg s2  }
0xa9: {  	[dreg:$0x3] =	wrdreg s4  }
0xaa: {  	[dreg:$0x4] =	wrdreg $0xC0  }
0xab: {  	_ =	task [dreg:s6], $0x5FFFF  }
0xac: {  	[dreg:$0x1] =	wrdreg $0xFFFFFFFF  }
0xad: {  	[dreg:$0x0] =	wrdreg $0x60  }
0xae: {  	[dreg:$0x2] =	wrdreg s24  }
0xaf: {  	[dreg:$0x3] =	wrdreg $0x9  }
0xb0: {  	_ =	task.clear_ibuf [dreg:s6], $0x4FFFF;
	_ =	strace $0x90000049  }
0xb1: {  	s29 =	simm.s32 $0x9;
	_ =	strace $0x8000004B  }
0xb2: {  	_ =	swait.ge [sflag:s29], $0x1  }
0xb3: {  	[sflag:s29] =	ssyncadd.s32 $0xFFFFFFFF  }
0xb4: {  	_ =	strace $0x9000004B  }
0xb5: {  	_ =	sfence  }
0xb6: {  	s30 =	sld [smem:$0x0];
	_ =	sdelay $0x2  }
0xb7: {  	s31 =	sshll.u32 s1, $0xD;
	s1 =	sshrl.u32 s1, $0x2  }
0xb8: {  	s3 =	sand.u32 $0x4000, s31;
	s1 =	sadd.s32 s1, s30  }
0xb9: {  	s0 =	sor.u32 s3, s0;
	s1 =	sshll.u32 s1, $0x11  }
0xba: {  	s0 =	sor.u32 s1, s0  }
0xbb: {  	s0 =	sadd.s32 $0x8F2B, s0  }
0xbc: {  	[sflag:s0] =	ssyncadd.remote.s32 $0x1  }
0xbd: {  	_ =	sfence.sel $0xFFFF  }
0xbe: {  	[dreg:$0x0] =	wrdreg $0xFFFFFFFF;
	(pc) =	sbr.abs _section_cstart, $3  }
0xbf: {  	[dreg:$0x1] =	wrdreg $0xFFFFFFFF  }
0xc0: {  	_ =	task.clear_ibuf [dreg:s6], $0x2FFFF;
	_ =	strace $0x9FFFFFFF  }
0xc1: {  	(tm) =	ssettm $0x7FFFFFFF  }
tec
execute0_lowered:
.L_overlay_start_1:
0x0: {  	(tag) =	ssettag $0x1  }
0x1: {  	s7 =	rddreg [dreg:$0x0]  }
0x2: {  	s0 =	rddreg [dreg:$0x1];
	_ =	strace $0x8000004A  }
0x3: {  	s1 =	srdreg.scid;
	s4 =	simm.s32 $0x1;
	s9 =	simm.s32 $0x3  }
0x4: {  	s12 =	simm.s32 $0x0;
	s10 =	simm.s32 $0x0;
	s5 =	sshll.u32 s1, $0x4  }
.Ltmp0:
0x5: {  	s1 =	stileid.u32;
	s5 =	sand.u32 $0x10, s5;
	(pc) =	sbr.rel .LBB2_1-.Ltmp0, $4  }
0x6: {  	s2 =	sadd.s32 $0x400, s7;
	s3 =	sadd.s32 $0x200, s7;
	s6 =	sor.u32 s1, s5  }
0x7: {  	[sflag:s4] =	ssyncpa.u1 $0x0;
	s5 =	simm.s32 $0x2;
	s6 =	sshll.u32 s6, $0x6  }
0x8: {  	s7 =	sadd.s32 $0x13A600, s7;
	[sflag:s5] =	ssyncpa.u1 $0x0;
	s8 =	sadd.s32 $0x40, s6  }
0x9: {  	vm0 =	vmmov $0xff;
	vm1 =	vcmask $0x3F20;
	[sflag:s9] =	ssyncpa.u1 $0x0;
	s9 =	simm.s32 $0x40;
	s11 =	smov.u32 s6  }
.LBB2_11:
0xa: {  	p0 =	seq.s32 s10, $0x2  }
.Ltmp1:
0xb: {  	_ = 	snop;
	(pc) =	sbr.rel @p0 .LBB2_13-.Ltmp1, $1  }
0xc: {  	_ =	sdelay $0x3  }
.LBB2_12:
0xd: {  	s12 =	sadd.s32 $0x40, s11  }
0xe: {  	s13 =	smov.u32 s6;
	p0 =	slt.s32 s12, s8  }
0xf: {  	s13 =	smov.u32 @p0 s12  }
0x10: {  	s10 =	sadd.s32 $0x1, s10;
	s12 =	smov.u32 s11;
	s11 =	smov.u32 s13  }
.LBB2_1:
0x11: {  	p0 =	sne.s32 s10, $0x0  }
.Ltmp2:
0x12: {  	_ = 	snop;
	(pc) =	sbr.rel @!p0 .LBB2_2-.Ltmp2, $1  }
0x13: {  	_ =	sdelay $0x3  }
0x14: {  	s13 =	sand.u32 $0x1, s10  }
0x15: {  	p0 =	seq.s32 s13, $0x0  }
.Ltmp3:
0x16: {  	_ = 	snop;
	(pc) =	sbr.rel @p0 .LBB2_11-.Ltmp3, $1  }
0x17: {  	_ =	sdelay $0x3  }
0x18: {  	_ =	swait.ge [sflag:s5], $0x40  }
0x19: {  	[sflag:s5] =	ssyncset.done $0x0  }
0x1a: {  	s13 =	simm.s32 $0x0;
	s14 =	simm.s32 $0x80;
	[sflag:s5] =	ssyncadd.s32 $0xFFFFFFC0  }
.LBB2_5:
0x1b: {  	s15 =	sshll.u32 s13, $0x4  }
0x1c: {  	s15 =	sand.u32 $0x3FFFFFF0, s15  }
0x1d: {  	v0 =	vld.msk [tilespmem:s15+$0x40 ss:$0x1], $0xffff;
	_ =	sdelay $0x4  }
0x1e: {  	vm2 =	vgt.s32 v0, $0x0  }
0x1f: {  	v0 =	vnsel vm2, $0x0, v0  }
0x20: {  	v0 =	vmin.u32 v0, $0x7FF  }
0x21: {  	v1 =	vshll.u32 v0, $0x6;
	v0 =	vshll.u32 v0, $0x4  }
0x22: {  	v1 =	vand.u32 $0x1FE00, v1;
	v0 =	vand.u32 $0x70, v0  }
0x23: {  	v0 =	vor.u32 v0, v1;
	_ =	sdelay $0x2  }
0x24: {  	s16 =	sadd.s32 $0xFFFFF000, s14  }
0x25: {  	s31 =	sadd.s32 $0x9000, s16;
	s16 =	sadd.s32 $0xA000, s16;
	s15 =	simm.s32 $0xFFFFD000  }
0x26: {  	v1 =	vadd.s32 $0x80, v0;
	[tilespmem:s31], [sflag:$0x1] =	stream.indirect_vreg.gather [hbm:s2], $0x80, v0, vm0, $0x38;
	[tilespmem:$0x10080] =	vst v63  }
.LBB2_6:
0x27: {  	[tilespmem:s16], [sflag:$0x1] =	stream.indirect_vreg.gather [hbm:s2], $0x80, v0, vm1, $0x38;
	[tilespmem:$0x10080] =	vst v63  }
0x28: {  	v0 =	vmov v1;
	p0 =	sne.s32 s15, $0xFFFFF000  }
.Ltmp4:
0x29: {  	s16 =	sshra.s32 s15, $0x2;
	(pc) =	sbr.rel @p0 .LBB2_6-.Ltmp4, $4  }
0x2a: {  	s15 =	sadd.s32 $0x1000, s15;
	s16 =	sadd.s32 s16, s14  }
0x2b: {  	s17 =	sadd.s32 $0x9000, s16  }
0x2c: {  	[tilespmem:s17], [sflag:$0x1] =	stream.indirect_vreg.gather [hbm:s2], $0x80, v1, vm0, $0x38;
	[tilespmem:$0x10080] =	vst v63  }
0x2d: {  	s16 =	sadd.s32 $0xA000, s16;
	v1 =	vadd.s32 $0x80, v1  }
0x2e: {  	s13 =	sadd.s32 $0x1, s13  }
0x2f: {  	p0 =	sne.s32 s13, $0x4  }
.Ltmp5:
0x30: {  	_ = 	snop;
	(pc) =	sbr.rel @p0 .LBB2_5-.Ltmp5, $3  }
0x31: {  	_ =	sdelay $0x1  }
0x32: {  	[tilespmem:s16], [sflag:$0x1] =	stream.indirect_vreg.gather [hbm:s2], $0x80, v0, vm1, $0x38;
	[tilespmem:$0x10080] =	vst v63  }
0x33: {  	s14 =	sadd.s32 $0x2000, s14  }
0x34: {  	s13 =	sshll.u32 s12, $0x6  }
0x35: {  	_ =	swait.ge [sflag:s4], $0x8000;
	s31 =	sshll.u32 s12, $0x4;
	s13 =	sand.u32 $0xFFFFFE00, s13  }
0x36: {  	s14 =	simm.s32 $0x200;
	s12 =	sand.u32 $0x70, s31;
	s13 =	sadd.s32 s13, s7  }
0x37: {  	s15 =	simm.s32 $0x9080;
	[sflag:s4] =	ssyncset.done $0x0;
	s12 =	sadd.s32 s12, s13  }
0x38: {  	[sflag:s4] =	ssyncadd.s32 $0xFFFF8000;
	s13 =	simm.s32 $0x8080;
	s16 =	sadd.s32 $0x0, s12  }
.LBB2_9:
0x39: {  	[hbm:s16] =	stream.linear.scatter [tilespmem:s13], [sflag:$0x3], $0x1000, $0x38;
	[tilespmem:$0x10080] =	vst v63  }
0x3a: {  	s16 =	smov.u32 s14;
	s13 =	smov.u32 s15;
	p0 =	sne.s32 s14, $0xE00  }
.Ltmp6:
0x3b: {  	s14 =	sadd.s32 $0x200, s14;
	(pc) =	sbr.rel @p0 .LBB2_9-.Ltmp6, $2  }
0x3c: {  	_ =	sdelay $0x2  }
0x3d: {  	s15 =	sadd.s32 $0x1000, s15;
	s16 =	sadd.s32 s16, s12  }
.Ltmp7:
0x3e: {  	(pc) =	sbr.rel .LBB2_11-.Ltmp7, $2  }
0x3f: {  	_ =	sdelay $0x2  }
0x40: {  	[hbm:s16] =	stream.linear.scatter [tilespmem:s13], [sflag:$0x3], $0x1000, $0x38;
	[tilespmem:$0x10080] =	vst v63  }
.LBB2_2:
.Ltmp8:
0x41: {  	(pc) =	sbr.rel .LBB2_12-.Ltmp8, $4  }
0x42: {  	_ = 	snop  }
0x43: {  	s12 =	sshrl.u32 s11, $0x3  }
0x44: {  	s13 =	sand.u32 $0x7, s11;
	s12 =	sadd.s32 s3, s12  }
0x45: {  	[tilespmem:s9], [sflag:$0x2] =	stream.linear.gather [hbm4b:s12+s13], $0x40, $0x38;
	[tilespmem:$0x10080] =	vst v63  }
.LBB2_13:
0x46: {  	s2 =	simm.s32 $0x3  }
0x47: {  	_ =	swait.ge [sflag:s2], $0x8000  }
0x48: {  	[sflag:s2] =	ssyncset.done $0x0  }
0x49: {  	[sflag:s2] =	ssyncadd.s32 $0xFFFF8000  }
0x4a: {  	_ =	sfence.sel $0x180000  }
0x4b: {  	s3 =	simm.s32 $0x2;
	[bflag:$0x0] =	sbarrier.arrive $0xFFFF  }
0x4c: {  	[sflag:s3] =	ssyncpa.u1 $0x1  }
0x4d: {  	s31 =	simm.s32 $0x1;
	[sflag:s2] =	ssyncpa.u1 $0x1  }
0x4e: {  	[sflag:s31] =	ssyncpa.u1 $0x1  }
0x4f: {  	p0 =	sne.s32 s1, $0x0;
	_ =	strace $0x9000004A  }
0x50: {  	s0 =	sadd.s32 @!p0 $0x100000, s0;
	[bflag:$0x2] =	sbarrier.arrive $0xFFFF  }
0x51: {  	[sflag:s0] =	ssyncadd.tile.s32 @!p0 $0x1;
	_ =	shalt  }
.Lfunc_end2:
_tile_overlayer_lowered:
.L_overlay_start_2:
0x52: {  	(tag) =	ssettag $0x2  }
0x53: {  	s0 =	rddreg [dreg:$0x0];
	s2 =	stileid.u32  }
0x54: {  	s1 =	rddreg [dreg:$0x1];
	p0 =	sne.s32 s2, $0x0  }
0x55: {  	s3 =	rddreg [dreg:$0x2];
	[bflag:$0x3] =	sbarrier.arrive $0xFFFF;
	s2 =	simm.s32 @!p0 $0x1C01  }
0x56: {  	[timem:s3], [sflag:s2] =	dma.local @!p0 [hbm:s0], s1  }
0x57: {  	s0 =	simm.s32 @!p0 $0x1  }
0x58: {  	_ =	swait.ge @!p0 [sflag:s0], s1  }
0x59: {  	s1 =	ssub.s32 @!p0 $0x0, s1;
	[sflag:s0] =	ssyncset.done @!p0 $0x0  }
0x5a: {  	[sflag:s0] =	ssyncadd.s32 @!p0 s1  }
0x5b: {  	[bflag:$0x3] =	sbarrier.arrive $0xFFFF  }
0x5c: {  	_ =	shalt  }

// kernel: gather_offload_async_start
scs
__scs_entry_jumppad:
0x0: {  	(pc) =	sbr.rel $0x88, $3  }
0x1: {  	(tag) =	ssettag $0x0;
	lr =	simm.s32 $0x1  }
0x2: {  	[smem:$0x3F9A] =	sst lr;
	_ =	strace $0xD0000000  }
0x3: {  	_ = 	snop  }
0x4: {  	_ = 	snop  }
0x5: {  	_ = 	snop  }
0x6: {  	_ = 	snop  }
0x7: {  	_ = 	snop  }
__scs_overlays_trampoline_lowered:
0x8: {  	[smem:$0x3FA9] =	sst s0  }
0x9: {  	[smem:$0x3FAA] =	sst s1  }
0xa: {  	[smem:$0x3FAB] =	sst s2  }
0xb: {  	[smem:$0x3FAC] =	sst s3  }
0xc: {  	[smem:$0x3FAD] =	sst s4  }
0xd: {  	[smem:$0x3FAE] =	sst s5  }
0xe: {  	[smem:$0x3FAF] =	sst s6  }
0xf: {  	[smem:$0x3FB0] =	sst s7  }
0x10: {  	[smem:$0x3FB1] =	sst s8  }
0x11: {  	[smem:$0x3FB2] =	sst s9;
	s0 =	simm.s32 @!p0 $0x0  }
0x12: {  	s1 =	sld [smem:$0x3F98];
	s0 =	simm.s32 @p0 $0x1  }
0x13: {  	[smem:$0x3FB3] =	sst s0;
	s0 =	simm.s32 @!p1 $0x0  }
0x14: {  	s2 =	sld [smem:$0x3F97];
	s0 =	simm.s32 @p1 $0x1  }
0x15: {  	[smem:$0x3FB4] =	sst s0;
	s0 =	simm.s32 @!p2 $0x0  }
0x16: {  	s3 =	sld [smem:$0x3FDB];
	s0 =	simm.s32 @p2 $0x1  }
0x17: {  	s4 =	simm.s32 $0x1BF5;
	[smem:$0x3FB6] =	sst s0  }
0x18: {  	s0 =	sld [smem:$0x3F99];
	_ =	swait.ge [sflag:s4], $0x0  }
0x19: {  	s7 =	sld [smem:$0x3F9A]  }
0x1a: {  	s8 =	sadd.s32 $0xFFFFE003, lr  }
0x1b: {  	s9 =	sadd.s32 $0xFFFFFEF7, lr;
	s5 =	simm.s32 $0xFFFFFFFF;
	p2 =	slt.u32 s8, $0xFFFFF086  }
0x1c: {  	p1 =	slt.u32 s9, $0xF7A;
	s5 =	simm.s32 @!p2 $0x0  }
0x1d: {  	s5 =	simm.s32 @p1 $0x1;
	p0 =	seq.s32 s7, s2  }
0x1e: {  	s7 =	smul.u32 @!p0 $0xF7A, s2;
	p2 =	seq.s32 @!p0 s5, $0x0  }
0x1f: {  	s9 =	smul.u32 $0xF7A, s1;
	s8 =	simm.s32 @!p0 $0x1BF5;
	p2 =	por !p2, p0  }
0x20: {  	[sflag:s8] =	ssyncset.s32 @!p0 $0xFFFFF086;
	s6 =	sadd.s32 @!p0 s3, s7;
	s7 =	simm.s32 @!p0 $0x108  }
0x21: {  	s3 =	sadd.s32 s3, s9;
	s6 =	sadd.s32 @!p0 $0x88, s6;
	s7 =	simm.s32 @p2 $0x1082  }
0x22: {  	[simem:s7], [sflag:s8] =	dma.local @!p0 [hbm:s6], $0xF7A  }
0x23: {  	s9 =	sor.u32 $0xD0000000, s2;
	s6 =	simm.s32 $0x108;
	_ =	swait.ge @!p0 [sflag:s8], $0x0  }
0x24: {  	s3 =	sadd.s32 $0x88, s3;
	s6 =	simm.s32 @!p1 $0x1082;
	[sflag:s4] =	ssyncset.s32 $0xFFFFF086  }
0x25: {  	[simem:s6], [sflag:s4] =	dma.local [hbm:s3], $0xF7A  }
0x26: {  	[smem:$0x3F9A] =	sst s1;
	(tag) =	ssettag s2;
	_ =	strace s9  }
0x27: {  	s1 =	sld [smem:$0x3FAA]  }
0x28: {  	s2 =	sld [smem:$0x3FAB]  }
0x29: {  	s4 =	sld [smem:$0x3FAD]  }
0x2a: {  	p0 =	seq.s32 s5, $0x0;
	s5 =	sld [smem:$0x3FAE]  }
0x2b: {  	s6 =	sld [smem:$0x3FAF]  }
0x2c: {  	s7 =	sld [smem:$0x3FB0]  }
0x2d: {  	s3 =	simm.s32 $0x108;
	s8 =	sld [smem:$0x3FB1]  }
0x2e: {  	s3 =	simm.s32 @!p0 $0x1082;
	s9 =	sld [smem:$0x3FB2]  }
0x2f: {  	lr =	sadd.s32 s0, s3;
	s0 =	sld [smem:$0x3FA9]  }
0x30: {  	s3 =	sld [smem:$0x3FAC]  }
0x31: {  	[smem:$0x3FB5] =	sst s10  }
0x32: {  	s10 =	sld [smem:$0x3FB3];
	_ =	sdelay $0x3  }
0x33: {  	p0 =	seq.s32 s10, $0x1;
	s10 =	sld [smem:$0x3FB5];
	_ =	sdelay $0x3  }
0x34: {  	[smem:$0x3FB5] =	sst s10  }
0x35: {  	s10 =	sld [smem:$0x3FB4];
	_ =	sdelay $0x3  }
0x36: {  	p1 =	seq.s32 s10, $0x1;
	s10 =	sld [smem:$0x3FB5];
	_ =	sdelay $0x3  }
0x37: {  	[smem:$0x3FB5] =	sst s10  }
0x38: {  	s10 =	sld [smem:$0x3FB6]  }
0x39: {  	_ = 	snop;
	(pc) =	sbr.ind lr, $3  }
0x3a: {  	_ = 	snop  }
0x3b: {  	_ = 	snop  }
0x3c: {  	p2 =	seq.s32 s10, $0x1;
	s10 =	sld [smem:$0x3FB5]  }
0x3d: {  	_ =	shalt  }
0x3e: {  	_ =	shalt  }
0x3f: {  	_ =	shalt  }
0x40: {  	_ =	shalt  }
0x41: {  	_ =	shalt  }
0x42: {  	_ =	shalt  }
0x43: {  	_ =	shalt  }
0x44: {  	_ =	shalt  }
0x45: {  	_ =	shalt  }
0x46: {  	_ =	shalt  }
0x47: {  	_ =	shalt  }
0x48: {  	_ =	shalt  }
0x49: {  	_ =	shalt  }
0x4a: {  	_ =	shalt  }
0x4b: {  	_ =	shalt  }
0x4c: {  	_ =	shalt  }
0x4d: {  	_ =	shalt  }
0x4e: {  	_ =	shalt  }
0x4f: {  	_ =	shalt  }
0x50: {  	_ =	shalt  }
0x51: {  	_ =	shalt  }
0x52: {  	_ =	shalt  }
0x53: {  	_ =	shalt  }
0x54: {  	_ =	shalt  }
0x55: {  	_ =	shalt  }
0x56: {  	_ =	shalt  }
0x57: {  	_ =	shalt  }
0x58: {  	_ =	shalt  }
0x59: {  	_ =	shalt  }
0x5a: {  	_ =	shalt  }
0x5b: {  	_ =	shalt  }
0x5c: {  	_ =	shalt  }
0x5d: {  	_ =	shalt  }
0x5e: {  	_ =	shalt  }
0x5f: {  	_ =	shalt  }
0x60: {  	_ =	shalt  }
0x61: {  	_ =	shalt  }
0x62: {  	_ =	shalt  }
0x63: {  	_ =	shalt  }
0x64: {  	_ =	shalt  }
0x65: {  	_ =	shalt  }
0x66: {  	_ =	shalt  }
0x67: {  	_ =	shalt  }
0x68: {  	_ =	shalt  }
0x69: {  	_ =	shalt  }
0x6a: {  	_ =	shalt  }
0x6b: {  	_ =	shalt  }
0x6c: {  	_ =	shalt  }
0x6d: {  	_ =	shalt  }
0x6e: {  	_ =	shalt  }
0x6f: {  	_ =	shalt  }
0x70: {  	_ =	shalt  }
0x71: {  	_ =	shalt  }
0x72: {  	_ =	shalt  }
0x73: {  	_ =	shalt  }
0x74: {  	_ =	shalt  }
0x75: {  	_ =	shalt  }
0x76: {  	_ =	shalt  }
0x77: {  	_ =	shalt  }
0x78: {  	_ =	shalt  }
0x79: {  	_ =	shalt  }
0x7a: {  	_ =	shalt  }
0x7b: {  	_ =	shalt  }
0x7c: {  	_ =	shalt  }
0x7d: {  	_ =	shalt  }
0x7e: {  	_ =	shalt  }
0x7f: {  	_ =	shalt  }
0x80: {  	_ =	shalt  }
0x81: {  	_ =	shalt  }
0x82: {  	_ =	shalt  }
0x83: {  	_ =	shalt  }
0x84: {  	_ =	shalt  }
0x85: {  	_ =	shalt  }
0x86: {  	_ =	shalt  }
0x87: {  	_ =	shalt  }
.Lfunc_end0:
.L_simem_size_0:
called_computation_lowered:
.L_overlay_start_0:
0x88: {  	s2 =	sld [smem:$0x3FD9]  }
0x89: {  	s3 =	sld [smem:$0x3FFE];
	_ =	sdelay $0x1  }
0x8a: {  	s1 =	srdreg.scid  }
0x8b: {  	s0 =	sand.u32 $0x1, s1  }
0x8c: {  	s17 =	sshll.u32 s0, $0xA;
	s2 =	sadd.s32 s3, s2  }
0x8d: {  	s2 =	sadd.s32 s2, s17  }
0x8e: {  	[smem:$0x3FC1] =	sst s2  }
0x8f: {  	_ = 	snop  }
0x90: {  	s2 =	sld [smem:$0x3FC8];
	(tm) =	ssettm $0x1  }
0x91: {  	s18 =	sld [smem:$0x3FFB];
	_ =	sdelay $0x3  }
0x92: {  	_ =	strace s18  }
0x93: {  	s3 =	sld [smem:$0x3FFC];
	_ =	sdelay $0x3  }
0x94: {  	_ =	strace s3  }
0x95: {  	s3 =	sld [smem:$0x3FFD];
	_ =	sdelay $0x3  }
0x96: {  	_ =	strace s3  }
0x97: {  	_ =	strace $0x8FFFFFFF  }
0x98: {  	s19 =	sld [smem:$0x3FDB];
	_ =	sdelay $0x1  }
0x99: {  	s4 =	simm.s32 $_scs_section_size  }
0x9a: {  	s5 =	simm.s32 $_size__tile_overlayer_lowered;
	s6 =	simm.s32 $_tile_overlayer_lowered  }
0x9b: {  	s22 =	simm.s32 $0x1BFF;
	s21 =	sshll.u32 s6, $0x1;
	s3 =	sadd.s32 s4, s19  }
0x9c: {  	s7 =	simm.s32 $0x0;
	s20 =	sshll.u32 s5, $0x1;
	s5 =	sadd.s32 s21, s3  }
0x9d: {  	[timem:s7], [sflag:s22] =	dma.local [hbm:s5], s20  }
0x9e: {  	_ =	swait.ge [sflag:s22], s20  }
0x9f: {  	s4 =	ssub.s32 $0x0, s20;
	[sflag:s22] =	ssyncset.done $0x0  }
0xa0: {  	[sflag:s22] =	ssyncadd.s32 s4;
	_ =	sdelay $0x1  }
0xa1: {  	s23 =	simm.s32 $0x1B8B  }
0xa2: {  	_ =	swait.ge [sflag:s23], $0x1  }
0xa3: {  	[sflag:s23] =	ssyncset.done $0x0  }
0xa4: {  	s25 =	simm.s32 $0x1B8E;
	s24 =	sld [smem:$0x3FFE];
	[sflag:s23] =	ssyncadd.s32 $0xFFFFFFFF  }
0xa5: {  	s26 =	simm.s32 $execute0_lowered;
	[smem:$0x3FD2] =	sst s25  }
0xa6: {  	s5 =	sshll.u32 s26, $0x1;
	_ =	strace $0x80000046;
	[dreg:$0x1] =	wrdreg $0xFFFFFFFF  }
0xa7: {  	s28 =	simm.s32 $_size_execute0_lowered;
	s3 =	sadd.s32 s3, s5;
	[dreg:$0x0] =	wrdreg $0x0  }
0xa8: {  	s5 =	sshll.u32 s28, $0x1;
	[dreg:$0x2] =	wrdreg s3  }
0xa9: {  	[dreg:$0x3] =	wrdreg s5  }
0xaa: {  	[dreg:$0x4] =	wrdreg $0xC0  }
0xab: {  	_ =	task [dreg:s7], $0x5FFFF  }
0xac: {  	[dreg:$0x1] =	wrdreg $0xFFFFFFFF  }
0xad: {  	[dreg:$0x0] =	wrdreg $0x60  }
0xae: {  	[dreg:$0x2] =	wrdreg s2  }
0xaf: {  	[dreg:$0x3] =	wrdreg s24  }
0xb0: {  	[dreg:$0x4] =	wrdreg $0x9  }
0xb1: {  	_ =	task.clear_ibuf [dreg:s7], $0x5FFFF;
	_ =	strace $0x90000046  }
0xb2: {  	s29 =	simm.s32 $0x9;
	_ =	strace $0x80000048  }
0xb3: {  	_ =	swait.ge [sflag:s29], $0x1  }
0xb4: {  	[sflag:s29] =	ssyncadd.s32 $0xFFFFFFFF  }
0xb5: {  	_ =	strace $0x90000048  }
0xb6: {  	_ =	sfence  }
0xb7: {  	s30 =	sld [smem:$0x0];
	_ =	sdelay $0x2  }
0xb8: {  	s31 =	sshll.u32 s1, $0xD;
	s1 =	sshrl.u32 s1, $0x2  }
0xb9: {  	s3 =	sand.u32 $0x4000, s31;
	s1 =	sadd.s32 s1, s30  }
0xba: {  	s0 =	sor.u32 s3, s0;
	s1 =	sshll.u32 s1, $0x11  }
0xbb: {  	s0 =	sor.u32 s1, s0  }
0xbc: {  	s0 =	sadd.s32 $0x8F2B, s0  }
0xbd: {  	[sflag:s0] =	ssyncadd.remote.s32 $0x1  }
0xbe: {  	_ =	sfence.sel $0xFFFF  }
0xbf: {  	[dreg:$0x0] =	wrdreg $0xFFFFFFFF;
	(pc) =	sbr.abs _section_cstart, $3  }
0xc0: {  	[dreg:$0x1] =	wrdreg $0xFFFFFFFF  }
0xc1: {  	_ =	task.clear_ibuf [dreg:s7], $0x2FFFF;
	_ =	strace $0x9FFFFFFF  }
0xc2: {  	(tm) =	ssettm $0x7FFFFFFF  }
0xc3: {  	_ =	shalt  }
tec
execute0_lowered:
.L_overlay_start_1:
0x0: {  	(tag) =	ssettag $0x1  }
0x1: {  	s1 =	srdreg.scid;
	s2 =	rddreg [dreg:$0x0]  }
0x2: {  	s0 =	stileid.u32;
	s6 =	rddreg [dreg:$0x1];
	s1 =	sshll.u32 s1, $0x5  }
0x3: {  	s7 =	simm.s32 $0x1;
	s3 =	sshll.u32 s0, $0x6;
	s1 =	sand.u32 $0x20, s1  }
0x4: {  	s30 =	simm.s32 $0x2;
	s31 =	simm.s32 $0x3;
	s3 =	sor.u32 s3, s1  }
0x5: {  	s11 =	simm.s32 $0x0;
	s9 =	simm.s32 $0x0;
	s5 =	ssub.s32 $0x800, s3  }
0x6: {  	s4 =	sadd.s32 $0x200, s6;
	s6 =	sadd.s32 $0x13A600, s6;
	s8 =	sand.u32 $0x3E0, s5  }
0x7: {  	s1 =	rddreg [dreg:$0x2];
	_ =	strace $0x80000047;
	p0 =	sne.s32 s8, $0x0  }
0x8: {  	[sflag:s7] =	ssyncpa.u1 $0x0;
	s5 =	sshrl.u32 s5, $0xA;
	s7 =	simm.s32 @!p0 $0x0  }
0x9: {  	s10 =	smov.u32 s3;
	[sflag:s30] =	ssyncpa.u1 $0x0;
	s5 =	sadd.s32 s7, s5  }
0xa: {  	[sflag:s31] =	ssyncpa.u1 $0x0;
	s8 =	simm.s32 $0x0;
	s7 =	sadd.s32 $0x1, s5  }
.LBB2_1:
0xb: {  	p0 =	sge.u32 s9, s5  }
0xc: {  	s31 =	sadd.s32 $0xFFFFFFFF, s9;
	s12 =	sxor.u32 @!p0 $0xFFFFFFFF, s8;
	s13 =	sshrl.u32 @!p0 s10, $0x3  }
0xd: {  	s14 =	sand.u32 @!p0 $0x7, s10;
	s12 =	sand.u32 @!p0 $0x20, s12;
	s13 =	sadd.s32 @!p0 s4, s13  }
0xe: {  	[tilespmem:s12], [sflag:$0x2] =	stream.linear.gather @!p0 [hbm4b:s13+s14], $0x20, $0x38;
	[tilespmem:$0x80] =	vst v63  }
0xf: {  	p0 =	sge.u32 s31, s5  }
0x10: {  	s12 =	simm.s32 @!p0 $0x2  }
0x11: {  	_ =	swait.ge @!p0 [sflag:s12], $0x20  }
0x12: {  	[sflag:s12] =	ssyncset.done @!p0 $0x0  }
0x13: {  	[sflag:s12] =	ssyncadd.s32 @!p0 $0xFFFFFFE0;
	s12 =	sand.u32 @!p0 $0x20, s8  }
0x14: {  	(ifvalue) =	ssetifvalue @!p0 $0x7FFFFFFF;
	v0 =	vld.msk @!p0 [tilespmem:s12+$0x0 ss:$0x1], $0xffff;
	_ =	sdelay $0x4  }
0x15: {  	vm0 =	vgt.s32 @!p0 v0, $0x0  }
0x16: {  	v0 =	vnsel @!p0 vm0, $0x0, v0  }
0x17: {  	v0 =	vmin.u32 @!p0 v0, $0x7FF;
	_ =	sdelay $0x2  }
0x18: {  	s14 =	simm.s32 @!p0 $0x0  }
0x19: {  	s13 =	sor.u32 @!p0 $0x40, s12;
	(ifvalue) =	ssetifvalue @!p0 $0x7FFFFFFF;
	s15 =	sor.u32 @!p0 $0x10, s12;
	vm0 =	vmmov @!p0 $0xffff  }
0x1a: {  	[tilespmem:s13], [sflag:$0x1] =	stream.indirect_vreg.gather @!p0 [hbm4b:s2+s14], $0x1, v0, vm0, $0x4038;
	[tilespmem:$0x80] =	vst v63  }
0x1b: {  	v0 =	vld.msk @!p0 [tilespmem:s15+$0x0 ss:$0x1], $0xffff;
	_ =	sdelay $0x4  }
0x1c: {  	vm1 =	vgt.s32 @!p0 v0, $0x0  }
0x1d: {  	v0 =	vnsel @!p0 vm1, $0x0, v0  }
0x1e: {  	v0 =	vmin.u32 @!p0 v0, $0x7FF;
	_ =	sdelay $0x3  }
0x1f: {  	s12 =	sor.u32 @!p0 $0x50, s12;
	(ifvalue) =	ssetifvalue @!p0 $0x7FFFFFFF  }
0x20: {  	[tilespmem:s12], [sflag:$0x1] =	stream.indirect_vreg.gather @!p0 [hbm4b:s2+s14], $0x1, v0, vm0, $0x4038;
	[tilespmem:$0x80] =	vst v63  }
0x21: {  	s12 =	simm.s32 @!p0 $0x1  }
0x22: {  	_ =	swait.ge @!p0 [sflag:s12], $0x20  }
0x23: {  	s14 =	sshrl.u32 @!p0 s11, $0x3;
	[sflag:s12] =	ssyncset.done @!p0 $0x0  }
0x24: {  	s11 =	sand.u32 @!p0 $0x7, s11;
	[sflag:s12] =	ssyncadd.s32 @!p0 $0xFFFFFFE0;
	s12 =	sadd.s32 @!p0 s6, s14  }
0x25: {  	[hbm4b:s12+s11] =	stream.linear.scatter @!p0 [tilespmem:s13], [sflag:$0x3], $0x20, $0x38;
	[tilespmem:$0x80] =	vst v63  }
0x26: {  	s13 =	sadd.s32 $0x400, s10  }
0x27: {  	p1 =	sgt.s32 s13, $0x7FF  }
0x28: {  	s13 =	smov.u32 @p1 s3;
	p1 =	sne.s32 s9, s7  }
.Ltmp0:
0x29: {  	p0 =	slt.u32 s9, $0x2;
	(pc) =	sbr.rel @p1 .LBB2_1-.Ltmp0, $4  }
0x2a: {  	s12 =	simm.s32 @!p0 $0x3  }
0x2b: {  	_ =	swait.ge @!p0 [sflag:s12], $0x20  }
0x2c: {  	s8 =	sadd.s32 $0x20, s8;
	s11 =	smov.u32 s10;
	[sflag:s12] =	ssyncset.done @!p0 $0x0  }
0x2d: {  	s9 =	sadd.s32 $0x1, s9;
	s10 =	smov.u32 s13;
	[sflag:s12] =	ssyncadd.s32 @!p0 $0xFFFFFFE0  }
0x2e: {  	_ =	sfence.sel $0x180000  }
0x2f: {  	s2 =	simm.s32 $0x2;
	[bflag:$0x0] =	sbarrier.arrive $0xFFFF  }
0x30: {  	s30 =	simm.s32 $0x3;
	[sflag:s2] =	ssyncpa.u1 $0x1  }
0x31: {  	s31 =	simm.s32 $0x1;
	[sflag:s30] =	ssyncpa.u1 $0x1  }
0x32: {  	[sflag:s31] =	ssyncpa.u1 $0x1  }
0x33: {  	p0 =	sne.s32 s0, $0x0;
	_ =	strace $0x90000047  }
0x34: {  	s0 =	sadd.s32 @!p0 $0x100000, s1;
	[bflag:$0x2] =	sbarrier.arrive $0xFFFF  }
0x35: {  	[sflag:s0] =	ssyncadd.tile.s32 @!p0 $0x1;
	_ =	shalt  }
.Lfunc_end2:
_tile_overlayer_lowered:
.L_overlay_start_2:
0x36: {  	(tag) =	ssettag $0x2  }
0x37: {  	s0 =	rddreg [dreg:$0x0];
	s2 =	stileid.u32  }
0x38: {  	s1 =	rddreg [dreg:$0x1];
	p0 =	sne.s32 s2, $0x0  }
0x39: {  	s3 =	rddreg [dreg:$0x2];
	[bflag:$0x3] =	sbarrier.arrive $0xFFFF;
	s2 =	simm.s32 @!p0 $0x1C01  }
0x3a: {  	[timem:s3], [sflag:s2] =	dma.local @!p0 [hbm:s0], s1  }
0x3b: {  	s0 =	simm.s32 @!p0 $0x1  }
0x3c: {  	_ =	swait.ge @!p0 [sflag:s0], s1  }
0x3d: {  	s1 =	ssub.s32 @!p0 $0x0, s1;
	[sflag:s0] =	ssyncset.done @!p0 $0x0  }
0x3e: {  	[sflag:s0] =	ssyncadd.s32 @!p0 s1  }
0x3f: {  	[bflag:$0x3] =	sbarrier.arrive $0xFFFF  }
0x40: {  	_ =	shalt  }

</sc_bundles>
